<compile_context>
chip_gen: v7x
topology: tpu7x:2x2x1
jax: 0.10.2.dev20260603
libtpu: 0.0.44.dev20260713+nightly
codegen_flags: <defaults>
</compile_context>

<pallas_src>
import functools

import jax
import jax.numpy as jnp
from jax import lax
from jax.experimental import pallas as pl
from jax.experimental.pallas import tpu as pltpu
from jax.experimental.pallas import tpu_sc as plsc

N = 1000000
D = 64
B = 16384

NC = 2
NS = 16
NW = NC * NS
BPW = B // NW
L = 16
NBLK = (N + 127) // 128
HMAX = 4096
RB = 128
CHUNK = 256


def _splat(ref, i):
    return plsc.load_gather(ref, [jnp.full((L,), i, jnp.int32)])


def _sweep_sc(users, pos, neg, Et, staging,
              iu, ip, inn, hraw_i, hraw_t, hsrt_i, hsrt_t,
              cnt, starts, basec, blk0, blk1, rowbuf, dummy, sem_in, sem_out):
    wid = lax.axis_index("s") * NC + lax.axis_index("c")
    b_lo = wid * NBLK // NW
    b_hi = (wid + 1) * NBLK // NW
    lo = b_lo * 128
    hi = b_hi * 128

    pltpu.sync_copy(users, iu)
    pltpu.sync_copy(pos, ip)
    pltpu.sync_copy(neg, inn)

    lane = lax.iota(jnp.int32, L)

    def scan_t(ref, t, off0):
        def scan_g(g, off):
            v = ref[pl.ds(g * L, L)]
            m = (v >= lo) & (v < hi)
            plsc.store_compressed(hraw_i.at[pl.ds(off, L)], v, mask=m)
            tag = t * B + g * L + lane
            plsc.store_compressed(hraw_t.at[pl.ds(off, L)], tag, mask=m)
            return off + plsc.all_reduce_population_count(m)[0]
        return lax.fori_loop(0, B // L, scan_g, off0)

    nhits = scan_t(iu, 0, jnp.int32(0))
    nhits = scan_t(ip, 1, nhits)
    nhits = scan_t(inn, 2, nhits)

    zeros = jnp.zeros((L,), jnp.int32)
    def zero_b(k, _):
        cnt[pl.ds(k * L, L)] = zeros
        return 0
    lax.fori_loop(0, 256 // L, zero_b, 0)

    one0 = jnp.where(lane == 0, 1, 0)
    m0 = lane == 0

    def count_b(h, _):
        v = _splat(hraw_i, h)
        blk = lax.shift_right_logical(v, 7) - b_lo
        plsc.addupdate_scatter(cnt, [blk & 255], one0, mask=m0)
        return 0
    lax.fori_loop(0, nhits, count_b, 0)

    def cum_b(k, carry):
        v = cnt[pl.ds(k * L, L)]
        inc = plsc.cumsum(v) + carry
        exc = inc - v
        starts[pl.ds(k * L, L)] = exc
        basec[pl.ds(k * L, L)] = exc
        return inc[L - 1]
    lax.fori_loop(0, 256 // L, cum_b, jnp.int32(0))

    def place_b(h, _):
        v = _splat(hraw_i, h)
        tg = _splat(hraw_t, h)
        blk = (lax.shift_right_logical(v, 7) - b_lo) & 255
        p = plsc.load_gather(basec, [blk]) & (HMAX - 1)
        plsc.store_scatter(hsrt_i, [p], v, mask=m0)
        plsc.store_scatter(hsrt_t, [p], tg, mask=m0)
        plsc.addupdate_scatter(basec, [blk], one0, mask=m0)
        return 0
    lax.fori_loop(0, nhits, place_b, 0)

    nb = b_hi - b_lo
    bufs = (blk0, blk1)

    pltpu.async_copy(Et.at[:, pl.ds(b_lo * 128, 128)], blk0, sem_in)

    d4 = [jnp.full((L,), c * L, jnp.int32) + lane for c in range(D // L)]

    def sweep_b(b, _):
        for par in range(2):
            @pl.when(b % 2 == par)
            def _():
                pltpu.make_async_copy(
                    Et.at[:, pl.ds(0, 128)], bufs[par], sem_in).wait()

        @pl.when(b + 1 < nb)
        def _():
            for par in range(2):
                @pl.when((b + 1) % 2 == par)
                def _():
                    pltpu.async_copy(
                        Et.at[:, pl.ds((b_lo + b + 1) * 128, 128)],
                        bufs[par], sem_in)

        h0 = _splat(starts, b)[0]
        h1 = _splat(starts, b + 1)[0]

        def hit_body(h, _):
            v = _splat(hsrt_i, h)
            tg = _splat(hsrt_t, h)[0]
            il = v & 127
            slot = h & (RB - 1)
            for par in range(2):
                @pl.when(b % 2 == par)
                def _():
                    for c in range(D // L):
                        rowbuf[slot, pl.ds(c * L, L)] = plsc.load_gather(
                            bufs[par], [d4[c], il])
            pltpu.async_copy(rowbuf.at[pl.ds(slot, 1)],
                             staging.at[pl.ds(tg, 1)], sem_out)
            return 0

        lax.fori_loop(h0, h1, hit_body, 0)
        return 0

    lax.fori_loop(0, nb, sweep_b, 0)

    def drain_b(k, _):
        pltpu.make_async_copy(users.at[pl.ds(0, 2 * D)], dummy, sem_out).wait()
        return 0
    lax.fori_loop(0, nhits, drain_b, 0)


def _dots_tc(u_ref, p_ref, n_ref, po_ref, no_ref):
    u = u_ref[...]
    po_ref[...] = jnp.sum(u * p_ref[...], axis=1)
    no_ref[...] = jnp.sum(u * n_ref[...], axis=1)


_TCB = 2048


def _dots_sc(staging, pos_out, neg_out, u_buf, p_buf, n_buf, o_p, o_n, sem):
    wid = lax.axis_index("s") * NC + lax.axis_index("c")
    base = wid * BPW
    lane = lax.iota(jnp.int32, L)

    def chunk_body(ch, _):
        coff = ch * CHUNK

        def row_body(i, _):
            dst = pl.ds(i, 1)
            pltpu.async_copy(staging.at[pl.ds(base + coff + i, 1)],
                             u_buf.at[dst], sem)
            pltpu.async_copy(staging.at[pl.ds(B + base + coff + i, 1)],
                             p_buf.at[dst], sem)
            pltpu.async_copy(staging.at[pl.ds(2 * B + base + coff + i, 1)],
                             n_buf.at[dst], sem)
            return 0

        lax.fori_loop(0, CHUNK, row_body, 0)
        pltpu.make_async_copy(staging.at[pl.ds(0, CHUNK)], u_buf, sem).wait()
        pltpu.make_async_copy(staging.at[pl.ds(0, CHUNK)], p_buf, sem).wait()
        pltpu.make_async_copy(staging.at[pl.ds(0, CHUNK)], n_buf, sem).wait()

        def group_body(g, _):
            rows = g * L + lane

            def d_body(d, accs):
                acc_p, acc_n = accs
                col = jnp.full((L,), 0, jnp.int32) + d
                u = plsc.load_gather(u_buf, [rows, col])
                p = plsc.load_gather(p_buf, [rows, col])
                n = plsc.load_gather(n_buf, [rows, col])
                return (acc_p + u * p, acc_n + u * n)

            acc_p, acc_n = lax.fori_loop(
                0, D, d_body,
                (jnp.zeros((L,), jnp.float32), jnp.zeros((L,), jnp.float32)))
            o_p[pl.ds(coff + g * L, L)] = acc_p
            o_n[pl.ds(coff + g * L, L)] = acc_n
            return 0

        lax.fori_loop(0, CHUNK // L, group_body, 0)
        return 0

    lax.fori_loop(0, BPW // CHUNK, chunk_body, 0)

    pltpu.sync_copy(o_p, pos_out.at[pl.ds(base, BPW)])
    pltpu.sync_copy(o_n, neg_out.at[pl.ds(base, BPW)])


@functools.cache
def _build():
    mesh = plsc.VectorSubcoreMesh(core_axis_name="c", subcore_axis_name="s",
                                  num_cores=NC, num_subcores=NS)
    params = pltpu.CompilerParams(needs_layout_passes=False,
                                  use_tc_tiling_on_sc=True,
                                  disable_bounds_checks=True)
    sweep = pl.kernel(
        _sweep_sc,
        out_type=jax.ShapeDtypeStruct((3 * B, D), jnp.float32),
        mesh=mesh,
        scratch_types=[
            pltpu.VMEM((B,), jnp.int32),
            pltpu.VMEM((B,), jnp.int32),
            pltpu.VMEM((B,), jnp.int32),
            pltpu.VMEM((HMAX,), jnp.int32),
            pltpu.VMEM((HMAX,), jnp.int32),
            pltpu.VMEM((HMAX,), jnp.int32),
            pltpu.VMEM((HMAX,), jnp.int32),
            pltpu.VMEM((256,), jnp.int32),
            pltpu.VMEM((272,), jnp.int32),
            pltpu.VMEM((256,), jnp.int32),
            pltpu.VMEM((D, 128), jnp.float32),
            pltpu.VMEM((D, 128), jnp.float32),
            pltpu.VMEM((RB, D), jnp.float32),
            pltpu.VMEM((2 * D,), jnp.int32),
            pltpu.SemaphoreType.DMA,
            pltpu.SemaphoreType.DMA,
        ],
        compiler_params=params,
    )
    dots = pl.pallas_call(
        _dots_tc,
        grid=(B // _TCB,),
        in_specs=[
            pl.BlockSpec((_TCB, D), lambda i: (i, 0)),
            pl.BlockSpec((_TCB, D), lambda i: (B // _TCB + i, 0)),
            pl.BlockSpec((_TCB, D), lambda i: (2 * (B // _TCB) + i, 0)),
        ],
        out_specs=[
            pl.BlockSpec((_TCB,), lambda i: (i,)),
            pl.BlockSpec((_TCB,), lambda i: (i,)),
        ],
        out_shape=[
            jax.ShapeDtypeStruct((B,), jnp.float32),
            jax.ShapeDtypeStruct((B,), jnp.float32),
        ],
    )
    return sweep, dots


def kernel(users, pos, neg, E):
    sweep, dots = _build()
    staging = sweep(users.astype(jnp.int32), pos.astype(jnp.int32),
                    neg.astype(jnp.int32), E.T)
    out = dots(staging, staging, staging)
    return (out[0], out[1])

# --- scband reference (transcript-rebuilt; emitter-appended) ---
"""Pipeline reference for scband-bpr-mf-41412074668254 (READ-ONLY COPY).

The authoritative reference and input builder live on the scoring server;
editing this copy changes nothing except your own understanding.
"""

import jax, jax.numpy as jnp
import numpy as np

N = 1000000
D = 64
B = 16384

def setup_inputs(seed: int = 0) -> dict:
    key = jax.random.key(seed)
    k1, k2, k3, k4 = jax.random.split(key, 4)
    users = jax.random.randint(k1, (B,), 0, N)
    pos = jax.random.randint(k2, (B,), 0, N)
    neg = jax.random.randint(k3, (B,), 0, N)
    # xavier_normal_ init: std = sqrt(2 / (fan_in + fan_out)) = sqrt(2 / (N + D))
    std = (2.0 / (N + D)) ** 0.5
    E = jax.random.normal(k4, (N, D), dtype=jnp.float32) * std
    return {"users": users, "pos": pos, "neg": neg, "E": E}

def reference(users, pos, neg, E):
    users_emb = jnp.take(E, users, axis=0)
    pos_emb = jnp.take(E, pos, axis=0)
    neg_emb = jnp.take(E, neg, axis=0)
    pos_sim = (users_emb * pos_emb).sum(axis=-1)
    neg_sim = (users_emb * neg_emb).sum(axis=-1)
    return (pos_sim, neg_sim)

if __name__ == "__main__":
    import jax
    _d = setup_inputs()
    print(jax.jit(kernel)(*tuple(_d.values())))

</pallas_src>

<mosaic_0001>
#map = affine_map<(d0, d1) -> (0)>
#map1 = affine_map<(d0, d1) -> (0, 0)>
module attributes {stable_mosaic.version = 14 : i64} {
  func.func @_sweep_sc(%arg0: i32, %arg1: i32, %arg2: memref<16384xi32, #tpu.memory_space<hbm>>, %arg3: memref<16384xi32, #tpu.memory_space<hbm>>, %arg4: memref<16384xi32, #tpu.memory_space<hbm>>, %arg5: memref<64x1000000xf32, #tpu.memory_space<hbm>>, %arg6: memref<49152x64xf32, #tpu.memory_space<hbm>>, %arg7: memref<16384xi32, #tpu.memory_space<vmem>>, %arg8: memref<16384xi32, #tpu.memory_space<vmem>>, %arg9: memref<16384xi32, #tpu.memory_space<vmem>>, %arg10: memref<4096xi32, #tpu.memory_space<vmem>>, %arg11: memref<4096xi32, #tpu.memory_space<vmem>>, %arg12: memref<4096xi32, #tpu.memory_space<vmem>>, %arg13: memref<4096xi32, #tpu.memory_space<vmem>>, %arg14: memref<256xi32, #tpu.memory_space<vmem>>, %arg15: memref<272xi32, #tpu.memory_space<vmem>>, %arg16: memref<256xi32, #tpu.memory_space<vmem>>, %arg17: memref<64x128xf32, #tpu.memory_space<vmem>>, %arg18: memref<64x128xf32, #tpu.memory_space<vmem>>, %arg19: memref<128x64xf32, #tpu.memory_space<vmem>>, %arg20: memref<128xi32, #tpu.memory_space<vmem>>, %arg21: memref<!tpu.dma_semaphore, #tpu.memory_space<semaphore_mem>>, %arg22: memref<!tpu.dma_semaphore, #tpu.memory_space<semaphore_mem>>) attributes {dimension_semantics = [#tpu.dimension_semantics<core_parallel>, #tpu.dimension_semantics<subcore_parallel>], iteration_bounds = array<i64: 2, 16>, scalar_prefetch = 0 : i64, scratch_operands = 16 : i64, tpu.core_type = #tpu.core_type<sc_vector_subcore>, window_params = [{transform_indices = #map}, {transform_indices = #map}, {transform_indices = #map}, {transform_indices = #map1}, {transform_indices = #map1}]} {
    %mul3A = arith.constant 2 : i32
    %mul3A_0 = arith.muli %arg1, %mul3A : i32
    %add3A = arith.addi %mul3A_0, %arg0 : i32
    %mul3A_1 = arith.constant 7813 : i32
    %mul3A_2 = arith.muli %add3A, %mul3A_1 : i32
    %jit3A = arith.constant 32 : i32
    %div3A = arith.divsi %mul3A_2, %jit3A : i32
    %sign3A = arith.constant 0 : i32
    %sign3A_3 = arith.cmpi sgt, %mul3A_2, %sign3A : i32
    %sign3A_4 = arith.extui %sign3A_3 : i1 to i32
    %sign3A_5 = arith.constant 0 : i32
    %sign3A_6 = arith.cmpi slt, %mul3A_2, %sign3A_5 : i32
    %sign3A_7 = arith.extui %sign3A_6 : i1 to i32
    %sign3A_8 = arith.subi %sign3A_4, %sign3A_7 : i32
    %sign3A_9 = arith.constant 0 : i32
    %sign3A_10 = arith.cmpi sgt, %jit3A, %sign3A_9 : i32
    %sign3A_11 = arith.extui %sign3A_10 : i1 to i32
    %sign3A_12 = arith.constant 0 : i32
    %sign3A_13 = arith.cmpi slt, %jit3A, %sign3A_12 : i32
    %sign3A_14 = arith.extui %sign3A_13 : i1 to i32
    %sign3A_15 = arith.subi %sign3A_11, %sign3A_14 : i32
    %ne3A = arith.cmpi ne, %sign3A_8, %sign3A_15 : i32
    %rem3A = arith.remsi %mul3A_2, %jit3A : i32
    %ne3A_16 = arith.constant 0 : i32
    %ne3A_17 = arith.cmpi ne, %rem3A, %ne3A_16 : i32
    %and3A = arith.andi %ne3A, %ne3A_17 : i1
    %sub3A = arith.constant 1 : i32
    %sub3A_18 = arith.subi %div3A, %sub3A : i32
    %select_n3A = arith.select %and3A, %sub3A_18, %div3A : i32
    %add3A_19 = arith.constant 1 : i32
    %add3A_20 = arith.addi %add3A, %add3A_19 : i32
    %mul3A_21 = arith.constant 7813 : i32
    %mul3A_22 = arith.muli %add3A_20, %mul3A_21 : i32
    %jit3A_23 = arith.constant 32 : i32
    %div3A_24 = arith.divsi %mul3A_22, %jit3A_23 : i32
    %sign3A_25 = arith.constant 0 : i32
    %sign3A_26 = arith.cmpi sgt, %mul3A_22, %sign3A_25 : i32
    %sign3A_27 = arith.extui %sign3A_26 : i1 to i32
    %sign3A_28 = arith.constant 0 : i32
    %sign3A_29 = arith.cmpi slt, %mul3A_22, %sign3A_28 : i32
    %sign3A_30 = arith.extui %sign3A_29 : i1 to i32
    %sign3A_31 = arith.subi %sign3A_27, %sign3A_30 : i32
    %sign3A_32 = arith.constant 0 : i32
    %sign3A_33 = arith.cmpi sgt, %jit3A_23, %sign3A_32 : i32
    %sign3A_34 = arith.extui %sign3A_33 : i1 to i32
    %sign3A_35 = arith.constant 0 : i32
    %sign3A_36 = arith.cmpi slt, %jit3A_23, %sign3A_35 : i32
    %sign3A_37 = arith.extui %sign3A_36 : i1 to i32
    %sign3A_38 = arith.subi %sign3A_34, %sign3A_37 : i32
    %ne3A_39 = arith.cmpi ne, %sign3A_31, %sign3A_38 : i32
    %rem3A_40 = arith.remsi %mul3A_22, %jit3A_23 : i32
    %ne3A_41 = arith.constant 0 : i32
    %ne3A_42 = arith.cmpi ne, %rem3A_40, %ne3A_41 : i32
    %and3A_43 = arith.andi %ne3A_39, %ne3A_42 : i1
    %sub3A_44 = arith.constant 1 : i32
    %sub3A_45 = arith.subi %div3A_24, %sub3A_44 : i32
    %select_n3A_46 = arith.select %and3A_43, %sub3A_45, %div3A_24 : i32
    %mul3A_47 = arith.constant 128 : i32
    %mul3A_48 = arith.muli %select_n3A, %mul3A_47 : i32
    %mul3A_49 = arith.constant 128 : i32
    %mul3A_50 = arith.muli %select_n3A_46, %mul3A_49 : i32
    "tpu.region"() ({
      %run_scoped3A = tpu.sem_alloc : memref<!tpu.dma_semaphore, #tpu.memory_space<semaphore_mem>>
      tpu.enqueue_dma source(%arg2 : memref<16384xi32, #tpu.memory_space<hbm>>) target(%arg7 : memref<16384xi32, #tpu.memory_space<vmem>>) target_semaphore(%run_scoped3A : memref<!tpu.dma_semaphore, #tpu.memory_space<semaphore_mem>>)
      tpu.wait_dma2 semaphore(%run_scoped3A : memref<!tpu.dma_semaphore, #tpu.memory_space<semaphore_mem>>) src(%arg2 : memref<16384xi32, #tpu.memory_space<hbm>>) dst(%arg7 : memref<16384xi32, #tpu.memory_space<vmem>>)
      tpu.yield
    }) : () -> ()
    "tpu.region"() ({
      %run_scoped3A = tpu.sem_alloc : memref<!tpu.dma_semaphore, #tpu.memory_space<semaphore_mem>>
      tpu.enqueue_dma source(%arg3 : memref<16384xi32, #tpu.memory_space<hbm>>) target(%arg8 : memref<16384xi32, #tpu.memory_space<vmem>>) target_semaphore(%run_scoped3A : memref<!tpu.dma_semaphore, #tpu.memory_space<semaphore_mem>>)
      tpu.wait_dma2 semaphore(%run_scoped3A : memref<!tpu.dma_semaphore, #tpu.memory_space<semaphore_mem>>) src(%arg3 : memref<16384xi32, #tpu.memory_space<hbm>>) dst(%arg8 : memref<16384xi32, #tpu.memory_space<vmem>>)
      tpu.yield
    }) : () -> ()
    "tpu.region"() ({
      %run_scoped3A = tpu.sem_alloc : memref<!tpu.dma_semaphore, #tpu.memory_space<semaphore_mem>>
      tpu.enqueue_dma source(%arg4 : memref<16384xi32, #tpu.memory_space<hbm>>) target(%arg9 : memref<16384xi32, #tpu.memory_space<vmem>>) target_semaphore(%run_scoped3A : memref<!tpu.dma_semaphore, #tpu.memory_space<semaphore_mem>>)
      tpu.wait_dma2 semaphore(%run_scoped3A : memref<!tpu.dma_semaphore, #tpu.memory_space<semaphore_mem>>) src(%arg4 : memref<16384xi32, #tpu.memory_space<hbm>>) dst(%arg9 : memref<16384xi32, #tpu.memory_space<vmem>>)
      tpu.yield
    }) : () -> ()
    %iota3A = tpu.iota {dimensions = array<i32: 0>} : vector<16xi32>
    %scan3A = arith.constant 0 : i32
    %scan3A_51 = arith.constant 0 : i32
    %scan3A_52 = arith.constant 1024 : i32
    %scan3A_53 = arith.addi %scan3A_51, %scan3A_52 : i32
    %scan3A_54 = arith.constant 1 : i32
    %scan3A_55 = scf.for %scan3A_159 = %scan3A_51 to %scan3A_53 step %scan3A_54 iter_args(%scan3A_160 = %scan3A) -> (i32)  : i32 {
      %mul3A_161 = arith.constant 16 : i32
      %mul3A_162 = arith.muli %scan3A_159, %mul3A_161 : i32
      %get3A = arith.index_cast %mul3A_162 : i32 to index
      %get3A_163 = tpu.vector_load %arg7[%get3A] {strides = array<i32>} : memref<16384xi32, #tpu.memory_space<vmem>>, vector<16xi32>,
      %ge3A = vector.broadcast %mul3A_48 : i32 to vector<16xi32>
      %ge3A_164 = arith.cmpi sge, %get3A_163, %ge3A : vector<16xi32>
      %lt3A = vector.broadcast %mul3A_50 : i32 to vector<16xi32>
      %lt3A_165 = arith.cmpi slt, %get3A_163, %lt3A : vector<16xi32>
      %and3A_166 = arith.andi %ge3A_164, %lt3A_165 : vector<16xi1>
      %swap3A = arith.index_cast %scan3A_160 : i32 to index
      %swap3A_167 = tpu.vector_load %arg10[%swap3A] masked %and3A_166 {strides = array<i32>} : memref<4096xi32, #tpu.memory_space<vmem>>, vector<16xi32>, vector<16xi1>
      tpu.vector_store %arg10[%swap3A], %get3A_163 masked %and3A_166 {strides = array<i32>} : memref<4096xi32, #tpu.memory_space<vmem>>, vector<16xi32>, vector<16xi1>
      %mul3A_168 = arith.constant 16 : i32
      %mul3A_169 = arith.muli %scan3A_159, %mul3A_168 : i32
      %add3A_170 = arith.constant 0 : i32
      %add3A_171 = arith.addi %add3A_170, %mul3A_169 : i32
      %add3A_172 = vector.broadcast %add3A_171 : i32 to vector<16xi32>
      %add3A_173 = arith.addi %add3A_172, %iota3A : vector<16xi32>
      %swap3A_174 = arith.index_cast %scan3A_160 : i32 to index
      %swap3A_175 = tpu.vector_load %arg11[%swap3A_174] masked %and3A_166 {strides = array<i32>} : memref<4096xi32, #tpu.memory_space<vmem>>, vector<16xi32>, vector<16xi1>
      tpu.vector_store %arg11[%swap3A_174], %add3A_173 masked %and3A_166 {strides = array<i32>} : memref<4096xi32, #tpu.memory_space<vmem>>, vector<16xi32>, vector<16xi1>
      %all_reduce_population_count3A = tpu.all_reduce %and3A_166 {dim = 0 : i64, kind = #tpu.reduction_kind<sum>} : vector<16xi1> -> vector<16xi32>
      %slice3A = vector.extract_strided_slice %all_reduce_population_count3A {offsets = [0], sizes = [1], strides = [1]} : vector<16xi32> to vector<1xi32>
      %squeeze3A = vector.extract %slice3A[0] : i32 from vector<1xi32>
      %add3A_176 = arith.addi %scan3A_160, %squeeze3A : i32
      scf.yield %add3A_176 : i32
    }
    %scan3A_56 = arith.constant 1024 : i32
    %scan3A_57 = arith.constant 0 : i32
    %scan3A_58 = arith.constant 1024 : i32
    %scan3A_59 = arith.addi %scan3A_57, %scan3A_58 : i32
    %scan3A_60 = arith.constant 1 : i32
    %scan3A_61 = scf.for %scan3A_159 = %scan3A_57 to %scan3A_59 step %scan3A_60 iter_args(%scan3A_160 = %scan3A_55) -> (i32)  : i32 {
      %mul3A_161 = arith.constant 16 : i32
      %mul3A_162 = arith.muli %scan3A_159, %mul3A_161 : i32
      %get3A = arith.index_cast %mul3A_162 : i32 to index
      %get3A_163 = tpu.vector_load %arg8[%get3A] {strides = array<i32>} : memref<16384xi32, #tpu.memory_space<vmem>>, vector<16xi32>,
      %ge3A = vector.broadcast %mul3A_48 : i32 to vector<16xi32>
      %ge3A_164 = arith.cmpi sge, %get3A_163, %ge3A : vector<16xi32>
      %lt3A = vector.broadcast %mul3A_50 : i32 to vector<16xi32>
      %lt3A_165 = arith.cmpi slt, %get3A_163, %lt3A : vector<16xi32>
      %and3A_166 = arith.andi %ge3A_164, %lt3A_165 : vector<16xi1>
      %swap3A = arith.index_cast %scan3A_160 : i32 to index
      %swap3A_167 = tpu.vector_load %arg10[%swap3A] masked %and3A_166 {strides = array<i32>} : memref<4096xi32, #tpu.memory_space<vmem>>, vector<16xi32>, vector<16xi1>
      tpu.vector_store %arg10[%swap3A], %get3A_163 masked %and3A_166 {strides = array<i32>} : memref<4096xi32, #tpu.memory_space<vmem>>, vector<16xi32>, vector<16xi1>
      %mul3A_168 = arith.constant 16 : i32
      %mul3A_169 = arith.muli %scan3A_159, %mul3A_168 : i32
      %add3A_170 = arith.constant 16384 : i32
      %add3A_171 = arith.addi %add3A_170, %mul3A_169 : i32
      %add3A_172 = vector.broadcast %add3A_171 : i32 to vector<16xi32>
      %add3A_173 = arith.addi %add3A_172, %iota3A : vector<16xi32>
      %swap3A_174 = arith.index_cast %scan3A_160 : i32 to index
      %swap3A_175 = tpu.vector_load %arg11[%swap3A_174] masked %and3A_166 {strides = array<i32>} : memref<4096xi32, #tpu.memory_space<vmem>>, vector<16xi32>, vector<16xi1>
      tpu.vector_store %arg11[%swap3A_174], %add3A_173 masked %and3A_166 {strides = array<i32>} : memref<4096xi32, #tpu.memory_space<vmem>>, vector<16xi32>, vector<16xi1>
      %all_reduce_population_count3A = tpu.all_reduce %and3A_166 {dim = 0 : i64, kind = #tpu.reduction_kind<sum>} : vector<16xi1> -> vector<16xi32>
      %slice3A = vector.extract_strided_slice %all_reduce_population_count3A {offsets = [0], sizes = [1], strides = [1]} : vector<16xi32> to vector<1xi32>
      %squeeze3A = vector.extract %slice3A[0] : i32 from vector<1xi32>
      %add3A_176 = arith.addi %scan3A_160, %squeeze3A : i32
      scf.yield %add3A_176 : i32
    }
    %scan3A_62 = arith.constant 1024 : i32
    %scan3A_63 = arith.constant 0 : i32
    %scan3A_64 = arith.constant 1024 : i32
    %scan3A_65 = arith.addi %scan3A_63, %scan3A_64 : i32
    %scan3A_66 = arith.constant 1 : i32
    %scan3A_67 = scf.for %scan3A_159 = %scan3A_63 to %scan3A_65 step %scan3A_66 iter_args(%scan3A_160 = %scan3A_61) -> (i32)  : i32 {
      %mul3A_161 = arith.constant 16 : i32
      %mul3A_162 = arith.muli %scan3A_159, %mul3A_161 : i32
      %get3A = arith.index_cast %mul3A_162 : i32 to index
      %get3A_163 = tpu.vector_load %arg9[%get3A] {strides = array<i32>} : memref<16384xi32, #tpu.memory_space<vmem>>, vector<16xi32>,
      %ge3A = vector.broadcast %mul3A_48 : i32 to vector<16xi32>
      %ge3A_164 = arith.cmpi sge, %get3A_163, %ge3A : vector<16xi32>
      %lt3A = vector.broadcast %mul3A_50 : i32 to vector<16xi32>
      %lt3A_165 = arith.cmpi slt, %get3A_163, %lt3A : vector<16xi32>
      %and3A_166 = arith.andi %ge3A_164, %lt3A_165 : vector<16xi1>
      %swap3A = arith.index_cast %scan3A_160 : i32 to index
      %swap3A_167 = tpu.vector_load %arg10[%swap3A] masked %and3A_166 {strides = array<i32>} : memref<4096xi32, #tpu.memory_space<vmem>>, vector<16xi32>, vector<16xi1>
      tpu.vector_store %arg10[%swap3A], %get3A_163 masked %and3A_166 {strides = array<i32>} : memref<4096xi32, #tpu.memory_space<vmem>>, vector<16xi32>, vector<16xi1>
      %mul3A_168 = arith.constant 16 : i32
      %mul3A_169 = arith.muli %scan3A_159, %mul3A_168 : i32
      %add3A_170 = arith.constant 32768 : i32
      %add3A_171 = arith.addi %add3A_170, %mul3A_169 : i32
      %add3A_172 = vector.broadcast %add3A_171 : i32 to vector<16xi32>
      %add3A_173 = arith.addi %add3A_172, %iota3A : vector<16xi32>
      %swap3A_174 = arith.index_cast %scan3A_160 : i32 to index
      %swap3A_175 = tpu.vector_load %arg11[%swap3A_174] masked %and3A_166 {strides = array<i32>} : memref<4096xi32, #tpu.memory_space<vmem>>, vector<16xi32>, vector<16xi1>
      tpu.vector_store %arg11[%swap3A_174], %add3A_173 masked %and3A_166 {strides = array<i32>} : memref<4096xi32, #tpu.memory_space<vmem>>, vector<16xi32>, vector<16xi1>
      %all_reduce_population_count3A = tpu.all_reduce %and3A_166 {dim = 0 : i64, kind = #tpu.reduction_kind<sum>} : vector<16xi1> -> vector<16xi32>
      %slice3A = vector.extract_strided_slice %all_reduce_population_count3A {offsets = [0], sizes = [1], strides = [1]} : vector<16xi32> to vector<1xi32>
      %squeeze3A = vector.extract %slice3A[0] : i32 from vector<1xi32>
      %add3A_176 = arith.addi %scan3A_160, %squeeze3A : i32
      scf.yield %add3A_176 : i32
    }
    %scan3A_68 = arith.constant 1024 : i32
    %broadcast_in_dim3A = arith.constant 0 : i32
    %broadcast_in_dim3A_69 = vector.broadcast %broadcast_in_dim3A : i32 to vector<16xi32>
    %scan3A_70 = arith.constant 0 : i32
    %scan3A_71 = arith.constant 0 : i32
    %scan3A_72 = arith.constant 16 : i32
    %scan3A_73 = arith.addi %scan3A_71, %scan3A_72 : i32
    %scan3A_74 = arith.constant 1 : i32
    %scan3A_75 = scf.for %scan3A_159 = %scan3A_71 to %scan3A_73 step %scan3A_74 iter_args(%scan3A_160 = %scan3A_70) -> (i32)  : i32 {
      %mul3A_161 = arith.constant 16 : i32
      %mul3A_162 = arith.muli %scan3A_159, %mul3A_161 : i32
      %swap3A = arith.index_cast %mul3A_162 : i32 to index
      %swap3A_163 = tpu.vector_load %arg14[%swap3A] {strides = array<i32>} : memref<256xi32, #tpu.memory_space<vmem>>, vector<16xi32>,
      tpu.vector_store %arg14[%swap3A], %broadcast_in_dim3A_69 {strides = array<i32>} : memref<256xi32, #tpu.memory_space<vmem>>, vector<16xi32>,
      %scan3A_164 = arith.constant 0 : i32
      scf.yield %scan3A_164 : i32
    }
    %scan3A_76 = arith.constant 16 : i32
    %eq3A = arith.constant 0 : i32
    %eq3A_77 = vector.broadcast %eq3A : i32 to vector<16xi32>
    %eq3A_78 = arith.cmpi eq, %iota3A, %eq3A_77 : vector<16xi32>
    %jit3A_79 = arith.constant 1 : i32
    %jit3A_80 = arith.constant 0 : i32
    %broadcast_in_dim3A_81 = vector.broadcast %jit3A_79 : i32 to vector<16xi32>
    %broadcast_in_dim3A_82 = vector.broadcast %jit3A_80 : i32 to vector<16xi32>
    %select_n3A_83 = arith.select %eq3A_78, %broadcast_in_dim3A_81, %broadcast_in_dim3A_82 : vector<16xi1>, vector<16xi32>
    %eq3A_84 = arith.constant 0 : i32
    %eq3A_85 = vector.broadcast %eq3A_84 : i32 to vector<16xi32>
    %eq3A_86 = arith.cmpi eq, %iota3A, %eq3A_85 : vector<16xi32>
    %while3A = arith.constant 0 : i32
    %while3A_87 = arith.constant 0 : i32
    %while3A_88 = arith.subi %scan3A_67, %while3A : i32
    %while3A_89 = arith.addi %while3A, %while3A_88 : i32
    %while3A_90 = arith.constant 1 : i32
    %while3A_91 = arith.divsi %while3A_88, %while3A_90 : i32
    %while3A_92 = arith.muli %while3A_91, %while3A_90 : i32
    %while3A_93 = arith.addi %while3A, %while3A_92 : i32
    %while3A_94 = arith.constant 1 : i32
    %while3A_95 = scf.for %while3A_159 = %while3A to %while3A_93 step %while3A_94 iter_args(%while3A_160 = %while3A_87) -> (i32)  : i32 {
      %broadcast_in_dim3A_161 = vector.broadcast %while3A_159 : i32 to vector<16xi32>
      %gather3A = tpu.vector_load_idx %arg10[%broadcast_in_dim3A_161] : memref<4096xi32, #tpu.memory_space<vmem>>[vector<16xi32>], vector<16xi32>,
      %shift_right_logical3A = arith.constant 7 : i32
      %shift_right_logical3A_162 = vector.broadcast %shift_right_logical3A : i32 to vector<16xi32>
      %shift_right_logical3A_163 = arith.shrui %gather3A, %shift_right_logical3A_162 : vector<16xi32>
      %sub3A_164 = vector.broadcast %select_n3A : i32 to vector<16xi32>
      %sub3A_165 = arith.subi %shift_right_logical3A_163, %sub3A_164 : vector<16xi32>
      %and3A_166 = arith.constant 255 : i32
      %and3A_167 = vector.broadcast %and3A_166 : i32 to vector<16xi32>
      %and3A_168 = arith.andi %sub3A_165, %and3A_167 : vector<16xi32>
      tpu.vector_store_idx %arg14[%and3A_168], %select_n3A_83 masked %eq3A_86 {add = true} : memref<256xi32, #tpu.memory_space<vmem>>[vector<16xi32>], vector<16xi32>, vector<16xi1>
      %while3A_169 = arith.constant 0 : i32
      scf.yield %while3A_169 : i32
    }
    %while3A_96 = arith.constant 1 : i32
    %while3A_97 = scf.for %while3A_159 = %while3A_93 to %while3A_89 step %while3A_96 iter_args(%while3A_160 = %while3A_95) -> (i32)  : i32 {
      %broadcast_in_dim3A_161 = vector.broadcast %while3A_159 : i32 to vector<16xi32>
      %gather3A = tpu.vector_load_idx %arg10[%broadcast_in_dim3A_161] : memref<4096xi32, #tpu.memory_space<vmem>>[vector<16xi32>], vector<16xi32>,
      %shift_right_logical3A = arith.constant 7 : i32
      %shift_right_logical3A_162 = vector.broadcast %shift_right_logical3A : i32 to vector<16xi32>
      %shift_right_logical3A_163 = arith.shrui %gather3A, %shift_right_logical3A_162 : vector<16xi32>
      %sub3A_164 = vector.broadcast %select_n3A : i32 to vector<16xi32>
      %sub3A_165 = arith.subi %shift_right_logical3A_163, %sub3A_164 : vector<16xi32>
      %and3A_166 = arith.constant 255 : i32
      %and3A_167 = vector.broadcast %and3A_166 : i32 to vector<16xi32>
      %and3A_168 = arith.andi %sub3A_165, %and3A_167 : vector<16xi32>
      tpu.vector_store_idx %arg14[%and3A_168], %select_n3A_83 masked %eq3A_86 {add = true} : memref<256xi32, #tpu.memory_space<vmem>>[vector<16xi32>], vector<16xi32>, vector<16xi1>
      %while3A_169 = arith.constant 0 : i32
      scf.yield %while3A_169 : i32
    }
    %scan3A_98 = arith.constant 0 : i32
    %scan3A_99 = arith.constant 0 : i32
    %scan3A_100 = arith.constant 16 : i32
    %scan3A_101 = arith.addi %scan3A_99, %scan3A_100 : i32
    %scan3A_102 = arith.constant 1 : i32
    %scan3A_103 = scf.for %scan3A_159 = %scan3A_99 to %scan3A_101 step %scan3A_102 iter_args(%scan3A_160 = %scan3A_98) -> (i32)  : i32 {
      %mul3A_161 = arith.constant 16 : i32
      %mul3A_162 = arith.muli %scan3A_159, %mul3A_161 : i32
      %get3A = arith.index_cast %mul3A_162 : i32 to index
      %get3A_163 = tpu.vector_load %arg14[%get3A] {strides = array<i32>} : memref<256xi32, #tpu.memory_space<vmem>>, vector<16xi32>,
      %broadcast_in_dim3A_164 = arith.constant true
      %broadcast_in_dim3A_165 = vector.broadcast %broadcast_in_dim3A_164 : i1 to vector<16xi1>
      %masked_cumsum3A = tpu.scan <sum>, %get3A_163 masked %broadcast_in_dim3A_165 : vector<16xi32>, vector<16xi1> -> vector<16xi32>
      %add3A_166 = vector.broadcast %scan3A_160 : i32 to vector<16xi32>
      %add3A_167 = arith.addi %masked_cumsum3A, %add3A_166 : vector<16xi32>
      %sub3A_168 = arith.subi %add3A_167, %get3A_163 : vector<16xi32>
      %mul3A_169 = arith.constant 16 : i32
      %mul3A_170 = arith.muli %scan3A_159, %mul3A_169 : i32
      %swap3A = arith.index_cast %mul3A_170 : i32 to index
      %swap3A_171 = tpu.vector_load %arg15[%swap3A] {strides = array<i32>} : memref<272xi32, #tpu.memory_space<vmem>>, vector<16xi32>,
      tpu.vector_store %arg15[%swap3A], %sub3A_168 {strides = array<i32>} : memref<272xi32, #tpu.memory_space<vmem>>, vector<16xi32>,
      %mul3A_172 = arith.constant 16 : i32
      %mul3A_173 = arith.muli %scan3A_159, %mul3A_172 : i32
      %swap3A_174 = arith.index_cast %mul3A_173 : i32 to index
      %swap3A_175 = tpu.vector_load %arg16[%swap3A_174] {strides = array<i32>} : memref<256xi32, #tpu.memory_space<vmem>>, vector<16xi32>,
      tpu.vector_store %arg16[%swap3A_174], %sub3A_168 {strides = array<i32>} : memref<256xi32, #tpu.memory_space<vmem>>, vector<16xi32>,
      %slice3A = vector.extract_strided_slice %add3A_167 {offsets = [15], sizes = [1], strides = [1]} : vector<16xi32> to vector<1xi32>
      %squeeze3A = vector.extract %slice3A[0] : i32 from vector<1xi32>
      scf.yield %squeeze3A : i32
    }
    %scan3A_104 = arith.constant 16 : i32
    %while3A_105 = arith.constant 0 : i32
    %while3A_106 = arith.constant 0 : i32
    %while3A_107 = arith.subi %scan3A_67, %while3A_105 : i32
    %while3A_108 = arith.addi %while3A_105, %while3A_107 : i32
    %while3A_109 = arith.constant 1 : i32
    %while3A_110 = arith.divsi %while3A_107, %while3A_109 : i32
    %while3A_111 = arith.muli %while3A_110, %while3A_109 : i32
    %while3A_112 = arith.addi %while3A_105, %while3A_111 : i32
    %while3A_113 = arith.constant 1 : i32
    %while3A_114 = scf.for %while3A_159 = %while3A_105 to %while3A_112 step %while3A_113 iter_args(%while3A_160 = %while3A_106) -> (i32)  : i32 {
      %broadcast_in_dim3A_161 = vector.broadcast %while3A_159 : i32 to vector<16xi32>
      %gather3A = tpu.vector_load_idx %arg10[%broadcast_in_dim3A_161] : memref<4096xi32, #tpu.memory_space<vmem>>[vector<16xi32>], vector<16xi32>,
      %broadcast_in_dim3A_162 = vector.broadcast %while3A_159 : i32 to vector<16xi32>
      %gather3A_163 = tpu.vector_load_idx %arg11[%broadcast_in_dim3A_162] : memref<4096xi32, #tpu.memory_space<vmem>>[vector<16xi32>], vector<16xi32>,
      %shift_right_logical3A = arith.constant 7 : i32
      %shift_right_logical3A_164 = vector.broadcast %shift_right_logical3A : i32 to vector<16xi32>
      %shift_right_logical3A_165 = arith.shrui %gather3A, %shift_right_logical3A_164 : vector<16xi32>
      %sub3A_166 = vector.broadcast %select_n3A : i32 to vector<16xi32>
      %sub3A_167 = arith.subi %shift_right_logical3A_165, %sub3A_166 : vector<16xi32>
      %and3A_168 = arith.constant 255 : i32
      %and3A_169 = vector.broadcast %and3A_168 : i32 to vector<16xi32>
      %and3A_170 = arith.andi %sub3A_167, %and3A_169 : vector<16xi32>
      %gather3A_171 = tpu.vector_load_idx %arg16[%and3A_170] : memref<256xi32, #tpu.memory_space<vmem>>[vector<16xi32>], vector<16xi32>,
      %and3A_172 = arith.constant 4095 : i32
      %and3A_173 = vector.broadcast %and3A_172 : i32 to vector<16xi32>
      %and3A_174 = arith.andi %gather3A_171, %and3A_173 : vector<16xi32>
      tpu.vector_store_idx %arg12[%and3A_174], %gather3A masked %eq3A_86 : memref<4096xi32, #tpu.memory_space<vmem>>[vector<16xi32>], vector<16xi32>, vector<16xi1>
      tpu.vector_store_idx %arg13[%and3A_174], %gather3A_163 masked %eq3A_86 : memref<4096xi32, #tpu.memory_space<vmem>>[vector<16xi32>], vector<16xi32>, vector<16xi1>
      tpu.vector_store_idx %arg16[%and3A_170], %select_n3A_83 masked %eq3A_86 {add = true} : memref<256xi32, #tpu.memory_space<vmem>>[vector<16xi32>], vector<16xi32>, vector<16xi1>
      %while3A_175 = arith.constant 0 : i32
      scf.yield %while3A_175 : i32
    }
    %while3A_115 = arith.constant 1 : i32
    %while3A_116 = scf.for %while3A_159 = %while3A_112 to %while3A_108 step %while3A_115 iter_args(%while3A_160 = %while3A_114) -> (i32)  : i32 {
      %broadcast_in_dim3A_161 = vector.broadcast %while3A_159 : i32 to vector<16xi32>
      %gather3A = tpu.vector_load_idx %arg10[%broadcast_in_dim3A_161] : memref<4096xi32, #tpu.memory_space<vmem>>[vector<16xi32>], vector<16xi32>,
      %broadcast_in_dim3A_162 = vector.broadcast %while3A_159 : i32 to vector<16xi32>
      %gather3A_163 = tpu.vector_load_idx %arg11[%broadcast_in_dim3A_162] : memref<4096xi32, #tpu.memory_space<vmem>>[vector<16xi32>], vector<16xi32>,
      %shift_right_logical3A = arith.constant 7 : i32
      %shift_right_logical3A_164 = vector.broadcast %shift_right_logical3A : i32 to vector<16xi32>
      %shift_right_logical3A_165 = arith.shrui %gather3A, %shift_right_logical3A_164 : vector<16xi32>
      %sub3A_166 = vector.broadcast %select_n3A : i32 to vector<16xi32>
      %sub3A_167 = arith.subi %shift_right_logical3A_165, %sub3A_166 : vector<16xi32>
      %and3A_168 = arith.constant 255 : i32
      %and3A_169 = vector.broadcast %and3A_168 : i32 to vector<16xi32>
      %and3A_170 = arith.andi %sub3A_167, %and3A_169 : vector<16xi32>
      %gather3A_171 = tpu.vector_load_idx %arg16[%and3A_170] : memref<256xi32, #tpu.memory_space<vmem>>[vector<16xi32>], vector<16xi32>,
      %and3A_172 = arith.constant 4095 : i32
      %and3A_173 = vector.broadcast %and3A_172 : i32 to vector<16xi32>
      %and3A_174 = arith.andi %gather3A_171, %and3A_173 : vector<16xi32>
      tpu.vector_store_idx %arg12[%and3A_174], %gather3A masked %eq3A_86 : memref<4096xi32, #tpu.memory_space<vmem>>[vector<16xi32>], vector<16xi32>, vector<16xi1>
      tpu.vector_store_idx %arg13[%and3A_174], %gather3A_163 masked %eq3A_86 : memref<4096xi32, #tpu.memory_space<vmem>>[vector<16xi32>], vector<16xi32>, vector<16xi1>
      tpu.vector_store_idx %arg16[%and3A_170], %select_n3A_83 masked %eq3A_86 {add = true} : memref<256xi32, #tpu.memory_space<vmem>>[vector<16xi32>], vector<16xi32>, vector<16xi1>
      %while3A_175 = arith.constant 0 : i32
      scf.yield %while3A_175 : i32
    }
    %sub3A_117 = arith.subi %select_n3A_46, %select_n3A : i32
    %mul3A_118 = arith.constant 128 : i32
    %mul3A_119 = arith.muli %select_n3A, %mul3A_118 : i32
    %dma_start3A = arith.constant 0 : i32
    %dma_start3A_120 = tpu.memref_slice %arg5[%dma_start3A, %mul3A_119] : memref<64x1000000xf32, #tpu.memory_space<hbm>> -> memref<64x128xf32, #tpu.memory_space<hbm>>
    %dma_start3A_121 = arith.constant 0 : i32
    %dma_start3A_122 = tpu.memref_slice %arg5[%dma_start3A_121, %mul3A_119] : memref<64x1000000xf32, #tpu.memory_space<hbm>> -> memref<64x128xf32, #tpu.memory_space<hbm>>
    tpu.enqueue_dma source(%dma_start3A_122 : memref<64x128xf32, #tpu.memory_space<hbm>>) target(%arg17 : memref<64x128xf32, #tpu.memory_space<vmem>>) target_semaphore(%arg21 : memref<!tpu.dma_semaphore, #tpu.memory_space<semaphore_mem>>)
    %broadcast_in_dim3A_123 = arith.constant 0 : i32
    %broadcast_in_dim3A_124 = vector.broadcast %broadcast_in_dim3A_123 : i32 to vector<16xi32>
    %add3A_125 = arith.addi %broadcast_in_dim3A_124, %iota3A : vector<16xi32>
    %broadcast_in_dim3A_126 = arith.constant 16 : i32
    %broadcast_in_dim3A_127 = vector.broadcast %broadcast_in_dim3A_126 : i32 to vector<16xi32>
    %add3A_128 = arith.addi %broadcast_in_dim3A_127, %iota3A : vector<16xi32>
    %broadcast_in_dim3A_129 = arith.constant 32 : i32
    %broadcast_in_dim3A_130 = vector.broadcast %broadcast_in_dim3A_129 : i32 to vector<16xi32>
    %add3A_131 = arith.addi %broadcast_in_dim3A_130, %iota3A : vector<16xi32>
    %broadcast_in_dim3A_132 = arith.constant 48 : i32
    %broadcast_in_dim3A_133 = vector.broadcast %broadcast_in_dim3A_132 : i32 to vector<16xi32>
    %add3A_134 = arith.addi %broadcast_in_dim3A_133, %iota3A : vector<16xi32>
    %while3A_135 = arith.constant 0 : i32
    %while3A_136 = arith.constant 0 : i32
    %while3A_137 = arith.subi %sub3A_117, %while3A_135 : i32
    %while3A_138 = arith.addi %while3A_135, %while3A_137 : i32
    %while3A_139 = arith.constant 1 : i32
    %while3A_140 = arith.divsi %while3A_137, %while3A_139 : i32
    %while3A_141 = arith.muli %while3A_140, %while3A_139 : i32
    %while3A_142 = arith.addi %while3A_135, %while3A_141 : i32
    %while3A_143 = arith.constant 1 : i32
    %while3A_144 = scf.for %while3A_159 = %while3A_135 to %while3A_142 step %while3A_143 iter_args(%while3A_160 = %while3A_136) -> (i32)  : i32 {
      %jit3A_161 = arith.constant 2 : i32
      %eq3A_162 = arith.constant 0 : i32
      %eq3A_163 = arith.cmpi eq, %jit3A_161, %eq3A_162 : i32
      %jit3A_164 = arith.constant 1 : i32
      %select_n3A_165 = arith.select %eq3A_163, %jit3A_164, %jit3A_161 : i32
      %rem3A_166 = arith.remsi %while3A_159, %select_n3A_165 : i32
      %ne3A_167 = arith.constant 0 : i32
      %ne3A_168 = arith.cmpi ne, %rem3A_166, %ne3A_167 : i32
      %lt3A = arith.constant 0 : i32
      %lt3A_169 = arith.cmpi slt, %rem3A_166, %lt3A : i32
      %lt3A_170 = arith.constant 0 : i32
      %lt3A_171 = arith.cmpi slt, %select_n3A_165, %lt3A_170 : i32
      %ne3A_172 = arith.xori %lt3A_169, %lt3A_171 : i1
      %and3A_173 = arith.andi %ne3A_172, %ne3A_168 : i1
      %add3A_174 = arith.addi %rem3A_166, %select_n3A_165 : i32
      %select_n3A_175 = arith.select %and3A_173, %add3A_174, %rem3A_166 : i32
      %eq3A_176 = arith.constant 0 : i32
      %eq3A_177 = arith.cmpi eq, %select_n3A_175, %eq3A_176 : i32
      %convert_element_type3A = arith.extui %eq3A_177 : i1 to i32
      %cond3A = arith.constant 0 : i32
      %cond3A_178 = arith.cmpi ne, %convert_element_type3A, %cond3A : i32
      scf.if %cond3A_178 {
        %dma_wait3A = arith.constant 0 : i32
        %dma_wait3A_225 = arith.constant 0 : i32
        %dma_wait3A_226 = tpu.memref_slice %arg5[%dma_wait3A, %dma_wait3A_225] : memref<64x1000000xf32, #tpu.memory_space<hbm>> -> memref<64x128xf32, #tpu.memory_space<hbm>>
        %dma_wait3A_227 = arith.constant 0 : i32
        %dma_wait3A_228 = arith.constant 0 : i32
        %dma_wait3A_229 = tpu.memref_slice %arg5[%dma_wait3A_227, %dma_wait3A_228] : memref<64x1000000xf32, #tpu.memory_space<hbm>> -> memref<64x128xf32, #tpu.memory_space<hbm>>
        tpu.wait_dma2 semaphore(%arg21 : memref<!tpu.dma_semaphore, #tpu.memory_space<semaphore_mem>>) src(%dma_wait3A_229 : memref<64x128xf32, #tpu.memory_space<hbm>>) dst(%arg17 : memref<64x128xf32, #tpu.memory_space<vmem>>)
      } else {
      }
      %jit3A_179 = arith.constant 2 : i32
      %eq3A_180 = arith.constant 0 : i32
      %eq3A_181 = arith.cmpi eq, %jit3A_179, %eq3A_180 : i32
      %jit3A_182 = arith.constant 1 : i32
      %select_n3A_183 = arith.select %eq3A_181, %jit3A_182, %jit3A_179 : i32
      %rem3A_184 = arith.remsi %while3A_159, %select_n3A_183 : i32
      %ne3A_185 = arith.constant 0 : i32
      %ne3A_186 = arith.cmpi ne, %rem3A_184, %ne3A_185 : i32
      %lt3A_187 = arith.constant 0 : i32
      %lt3A_188 = arith.cmpi slt, %rem3A_184, %lt3A_187 : i32
      %lt3A_189 = arith.constant 0 : i32
      %lt3A_190 = arith.cmpi slt, %select_n3A_183, %lt3A_189 : i32
      %ne3A_191 = arith.xori %lt3A_188, %lt3A_190 : i1
      %and3A_192 = arith.andi %ne3A_191, %ne3A_186 : i1
      %add3A_193 = arith.addi %rem3A_184, %select_n3A_183 : i32
      %select_n3A_194 = arith.select %and3A_192, %add3A_193, %rem3A_184 : i32
      %eq3A_195 = arith.constant 1 : i32
      %eq3A_196 = arith.cmpi eq, %select_n3A_194, %eq3A_195 : i32
      %convert_element_type3A_197 = arith.extui %eq3A_196 : i1 to i32
      %cond3A_198 = arith.constant 0 : i32
      %cond3A_199 = arith.cmpi ne, %convert_element_type3A_197, %cond3A_198 : i32
      scf.if %cond3A_199 {
        %dma_wait3A = arith.constant 0 : i32
        %dma_wait3A_225 = arith.constant 0 : i32
        %dma_wait3A_226 = tpu.memref_slice %arg5[%dma_wait3A, %dma_wait3A_225] : memref<64x1000000xf32, #tpu.memory_space<hbm>> -> memref<64x128xf32, #tpu.memory_space<hbm>>
        %dma_wait3A_227 = arith.constant 0 : i32
        %dma_wait3A_228 = arith.constant 0 : i32
        %dma_wait3A_229 = tpu.memref_slice %arg5[%dma_wait3A_227, %dma_wait3A_228] : memref<64x1000000xf32, #tpu.memory_space<hbm>> -> memref<64x128xf32, #tpu.memory_space<hbm>>
        tpu.wait_dma2 semaphore(%arg21 : memref<!tpu.dma_semaphore, #tpu.memory_space<semaphore_mem>>) src(%dma_wait3A_229 : memref<64x128xf32, #tpu.memory_space<hbm>>) dst(%arg18 : memref<64x128xf32, #tpu.memory_space<vmem>>)
      } else {
      }
      %add3A_200 = arith.constant 1 : i32
      %add3A_201 = arith.addi %while3A_159, %add3A_200 : i32
      %lt3A_202 = arith.cmpi slt, %add3A_201, %sub3A_117 : i32
      %convert_element_type3A_203 = arith.extui %lt3A_202 : i1 to i32
      %cond3A_204 = arith.constant 0 : i32
      %cond3A_205 = arith.cmpi ne, %convert_element_type3A_203, %cond3A_204 : i32
      scf.if %cond3A_205 {
        %add3A_225 = arith.constant 1 : i32
        %add3A_226 = arith.addi %while3A_159, %add3A_225 : i32
        %jit3A_227 = arith.constant 2 : i32
        %eq3A_228 = arith.constant 0 : i32
        %eq3A_229 = arith.cmpi eq, %jit3A_227, %eq3A_228 : i32
        %jit3A_230 = arith.constant 1 : i32
        %select_n3A_231 = arith.select %eq3A_229, %jit3A_230, %jit3A_227 : i32
        %rem3A_232 = arith.remsi %add3A_226, %select_n3A_231 : i32
        %ne3A_233 = arith.constant 0 : i32
        %ne3A_234 = arith.cmpi ne, %rem3A_232, %ne3A_233 : i32
        %lt3A_235 = arith.constant 0 : i32
        %lt3A_236 = arith.cmpi slt, %rem3A_232, %lt3A_235 : i32
        %lt3A_237 = arith.constant 0 : i32
        %lt3A_238 = arith.cmpi slt, %select_n3A_231, %lt3A_237 : i32
        %ne3A_239 = arith.xori %lt3A_236, %lt3A_238 : i1
        %and3A_240 = arith.andi %ne3A_239, %ne3A_234 : i1
        %add3A_241 = arith.addi %rem3A_232, %select_n3A_231 : i32
        %select_n3A_242 = arith.select %and3A_240, %add3A_241, %rem3A_232 : i32
        %eq3A_243 = arith.constant 0 : i32
        %eq3A_244 = arith.cmpi eq, %select_n3A_242, %eq3A_243 : i32
        %convert_element_type3A_245 = arith.extui %eq3A_244 : i1 to i32
        %cond3A_246 = arith.constant 0 : i32
        %cond3A_247 = arith.cmpi ne, %convert_element_type3A_245, %cond3A_246 : i32
        scf.if %cond3A_247 {
          %add3A_271 = arith.addi %select_n3A, %while3A_159 : i32
          %add3A_272 = arith.constant 1 : i32
          %add3A_273 = arith.addi %add3A_271, %add3A_272 : i32
          %mul3A_274 = arith.constant 128 : i32
          %mul3A_275 = arith.muli %add3A_273, %mul3A_274 : i32
          %dma_start3A_276 = arith.constant 0 : i32
          %dma_start3A_277 = tpu.memref_slice %arg5[%dma_start3A_276, %mul3A_275] : memref<64x1000000xf32, #tpu.memory_space<hbm>> -> memref<64x128xf32, #tpu.memory_space<hbm>>
          %dma_start3A_278 = arith.constant 0 : i32
          %dma_start3A_279 = tpu.memref_slice %arg5[%dma_start3A_278, %mul3A_275] : memref<64x1000000xf32, #tpu.memory_space<hbm>> -> memref<64x128xf32, #tpu.memory_space<hbm>>
          tpu.enqueue_dma source(%dma_start3A_279 : memref<64x128xf32, #tpu.memory_space<hbm>>) target(%arg17 : memref<64x128xf32, #tpu.memory_space<vmem>>) target_semaphore(%arg21 : memref<!tpu.dma_semaphore, #tpu.memory_space<semaphore_mem>>)
        } else {
        }
        %add3A_248 = arith.constant 1 : i32
        %add3A_249 = arith.addi %while3A_159, %add3A_248 : i32
        %jit3A_250 = arith.constant 2 : i32
        %eq3A_251 = arith.constant 0 : i32
        %eq3A_252 = arith.cmpi eq, %jit3A_250, %eq3A_251 : i32
        %jit3A_253 = arith.constant 1 : i32
        %select_n3A_254 = arith.select %eq3A_252, %jit3A_253, %jit3A_250 : i32
        %rem3A_255 = arith.remsi %add3A_249, %select_n3A_254 : i32
        %ne3A_256 = arith.constant 0 : i32
        %ne3A_257 = arith.cmpi ne, %rem3A_255, %ne3A_256 : i32
        %lt3A_258 = arith.constant 0 : i32
        %lt3A_259 = arith.cmpi slt, %rem3A_255, %lt3A_258 : i32
        %lt3A_260 = arith.constant 0 : i32
        %lt3A_261 = arith.cmpi slt, %select_n3A_254, %lt3A_260 : i32
        %ne3A_262 = arith.xori %lt3A_259, %lt3A_261 : i1
        %and3A_263 = arith.andi %ne3A_262, %ne3A_257 : i1
        %add3A_264 = arith.addi %rem3A_255, %select_n3A_254 : i32
        %select_n3A_265 = arith.select %and3A_263, %add3A_264, %rem3A_255 : i32
        %eq3A_266 = arith.constant 1 : i32
        %eq3A_267 = arith.cmpi eq, %select_n3A_265, %eq3A_266 : i32
        %convert_element_type3A_268 = arith.extui %eq3A_267 : i1 to i32
        %cond3A_269 = arith.constant 0 : i32
        %cond3A_270 = arith.cmpi ne, %convert_element_type3A_268, %cond3A_269 : i32
        scf.if %cond3A_270 {
          %add3A_271 = arith.addi %select_n3A, %while3A_159 : i32
          %add3A_272 = arith.constant 1 : i32
          %add3A_273 = arith.addi %add3A_271, %add3A_272 : i32
          %mul3A_274 = arith.constant 128 : i32
          %mul3A_275 = arith.muli %add3A_273, %mul3A_274 : i32
          %dma_start3A_276 = arith.constant 0 : i32
          %dma_start3A_277 = tpu.memref_slice %arg5[%dma_start3A_276, %mul3A_275] : memref<64x1000000xf32, #tpu.memory_space<hbm>> -> memref<64x128xf32, #tpu.memory_space<hbm>>
          %dma_start3A_278 = arith.constant 0 : i32
          %dma_start3A_279 = tpu.memref_slice %arg5[%dma_start3A_278, %mul3A_275] : memref<64x1000000xf32, #tpu.memory_space<hbm>> -> memref<64x128xf32, #tpu.memory_space<hbm>>
          tpu.enqueue_dma source(%dma_start3A_279 : memref<64x128xf32, #tpu.memory_space<hbm>>) target(%arg18 : memref<64x128xf32, #tpu.memory_space<vmem>>) target_semaphore(%arg21 : memref<!tpu.dma_semaphore, #tpu.memory_space<semaphore_mem>>)
        } else {
        }
      } else {
      }
      %broadcast_in_dim3A_206 = vector.broadcast %while3A_159 : i32 to vector<16xi32>
      %gather3A = tpu.vector_load_idx %arg15[%broadcast_in_dim3A_206] : memref<272xi32, #tpu.memory_space<vmem>>[vector<16xi32>], vector<16xi32>,
      %slice3A = vector.extract_strided_slice %gather3A {offsets = [0], sizes = [1], strides = [1]} : vector<16xi32> to vector<1xi32>
      %squeeze3A = vector.extract %slice3A[0] : i32 from vector<1xi32>
      %add3A_207 = arith.constant 1 : i32
      %add3A_208 = arith.addi %while3A_159, %add3A_207 : i32
      %broadcast_in_dim3A_209 = vector.broadcast %add3A_208 : i32 to vector<16xi32>
      %gather3A_210 = tpu.vector_load_idx %arg15[%broadcast_in_dim3A_209] : memref<272xi32, #tpu.memory_space<vmem>>[vector<16xi32>], vector<16xi32>,
      %slice3A_211 = vector.extract_strided_slice %gather3A_210 {offsets = [0], sizes = [1], strides = [1]} : vector<16xi32> to vector<1xi32>
      %squeeze3A_212 = vector.extract %slice3A_211[0] : i32 from vector<1xi32>
      %while3A_213 = arith.constant 0 : i32
      %while3A_214 = arith.subi %squeeze3A_212, %squeeze3A : i32
      %while3A_215 = arith.addi %squeeze3A, %while3A_214 : i32
      %while3A_216 = arith.constant 1 : i32
      %while3A_217 = arith.divsi %while3A_214, %while3A_216 : i32
      %while3A_218 = arith.muli %while3A_217, %while3A_216 : i32
      %while3A_219 = arith.addi %squeeze3A, %while3A_218 : i32
      %while3A_220 = arith.constant 1 : i32
      %while3A_221 = scf.for %while3A_225 = %squeeze3A to %while3A_219 step %while3A_220 iter_args(%while3A_226 = %while3A_213) -> (i32)  : i32 {
        %broadcast_in_dim3A_227 = vector.broadcast %while3A_225 : i32 to vector<16xi32>
        %gather3A_228 = tpu.vector_load_idx %arg12[%broadcast_in_dim3A_227] : memref<4096xi32, #tpu.memory_space<vmem>>[vector<16xi32>], vector<16xi32>,
        %broadcast_in_dim3A_229 = vector.broadcast %while3A_225 : i32 to vector<16xi32>
        %gather3A_230 = tpu.vector_load_idx %arg13[%broadcast_in_dim3A_229] : memref<4096xi32, #tpu.memory_space<vmem>>[vector<16xi32>], vector<16xi32>,
        %slice3A_231 = vector.extract_strided_slice %gather3A_230 {offsets = [0], sizes = [1], strides = [1]} : vector<16xi32> to vector<1xi32>
        %squeeze3A_232 = vector.extract %slice3A_231[0] : i32 from vector<1xi32>
        %and3A_233 = arith.constant 127 : i32
        %and3A_234 = vector.broadcast %and3A_233 : i32 to vector<16xi32>
        %and3A_235 = arith.andi %gather3A_228, %and3A_234 : vector<16xi32>
        %and3A_236 = arith.constant 127 : i32
        %and3A_237 = arith.andi %while3A_225, %and3A_236 : i32
        %jit3A_238 = arith.constant 2 : i32
        %eq3A_239 = arith.constant 0 : i32
        %eq3A_240 = arith.cmpi eq, %jit3A_238, %eq3A_239 : i32
        %jit3A_241 = arith.constant 1 : i32
        %select_n3A_242 = arith.select %eq3A_240, %jit3A_241, %jit3A_238 : i32
        %rem3A_243 = arith.remsi %while3A_159, %select_n3A_242 : i32
        %ne3A_244 = arith.constant 0 : i32
        %ne3A_245 = arith.cmpi ne, %rem3A_243, %ne3A_244 : i32
        %lt3A_246 = arith.constant 0 : i32
        %lt3A_247 = arith.cmpi slt, %rem3A_243, %lt3A_246 : i32
        %lt3A_248 = arith.constant 0 : i32
        %lt3A_249 = arith.cmpi slt, %select_n3A_242, %lt3A_248 : i32
        %ne3A_250 = arith.xori %lt3A_247, %lt3A_249 : i1
        %and3A_251 = arith.andi %ne3A_250, %ne3A_245 : i1
        %add3A_252 = arith.addi %rem3A_243, %select_n3A_242 : i32
        %select_n3A_253 = arith.select %and3A_251, %add3A_252, %rem3A_243 : i32
        %eq3A_254 = arith.constant 0 : i32
        %eq3A_255 = arith.cmpi eq, %select_n3A_253, %eq3A_254 : i32
        %convert_element_type3A_256 = arith.extui %eq3A_255 : i1 to i32
        %cond3A_257 = arith.constant 0 : i32
        %cond3A_258 = arith.cmpi ne, %convert_element_type3A_256, %cond3A_257 : i32
        scf.if %cond3A_258 {
          %gather3A_289 = tpu.vector_load_idx %arg17[%add3A_125, %and3A_235] : memref<64x128xf32, #tpu.memory_space<vmem>>[vector<16xi32>, vector<16xi32>], vector<16xf32>,
          %swap3A = arith.index_cast %and3A_237 : i32 to index
          %swap3A_290 = arith.constant 0 : index
          %swap3A_291 = tpu.vector_load %arg19[%swap3A, %swap3A_290] {strides = array<i32>} : memref<128x64xf32, #tpu.memory_space<vmem>>, vector<16xf32>,
          tpu.vector_store %arg19[%swap3A, %swap3A_290], %gather3A_289 {strides = array<i32>} : memref<128x64xf32, #tpu.memory_space<vmem>>, vector<16xf32>,
          %gather3A_292 = tpu.vector_load_idx %arg17[%add3A_128, %and3A_235] : memref<64x128xf32, #tpu.memory_space<vmem>>[vector<16xi32>, vector<16xi32>], vector<16xf32>,
          %swap3A_293 = arith.index_cast %and3A_237 : i32 to index
          %swap3A_294 = arith.constant 16 : index
          %swap3A_295 = tpu.vector_load %arg19[%swap3A_293, %swap3A_294] {strides = array<i32>} : memref<128x64xf32, #tpu.memory_space<vmem>>, vector<16xf32>,
          tpu.vector_store %arg19[%swap3A_293, %swap3A_294], %gather3A_292 {strides = array<i32>} : memref<128x64xf32, #tpu.memory_space<vmem>>, vector<16xf32>,
          %gather3A_296 = tpu.vector_load_idx %arg17[%add3A_131, %and3A_235] : memref<64x128xf32, #tpu.memory_space<vmem>>[vector<16xi32>, vector<16xi32>], vector<16xf32>,
          %swap3A_297 = arith.index_cast %and3A_237 : i32 to index
          %swap3A_298 = arith.constant 32 : index
          %swap3A_299 = tpu.vector_load %arg19[%swap3A_297, %swap3A_298] {strides = array<i32>} : memref<128x64xf32, #tpu.memory_space<vmem>>, vector<16xf32>,
          tpu.vector_store %arg19[%swap3A_297, %swap3A_298], %gather3A_296 {strides = array<i32>} : memref<128x64xf32, #tpu.memory_space<vmem>>, vector<16xf32>,
          %gather3A_300 = tpu.vector_load_idx %arg17[%add3A_134, %and3A_235] : memref<64x128xf32, #tpu.memory_space<vmem>>[vector<16xi32>, vector<16xi32>], vector<16xf32>,
          %swap3A_301 = arith.index_cast %and3A_237 : i32 to index
          %swap3A_302 = arith.constant 48 : index
          %swap3A_303 = tpu.vector_load %arg19[%swap3A_301, %swap3A_302] {strides = array<i32>} : memref<128x64xf32, #tpu.memory_space<vmem>>, vector<16xf32>,
          tpu.vector_store %arg19[%swap3A_301, %swap3A_302], %gather3A_300 {strides = array<i32>} : memref<128x64xf32, #tpu.memory_space<vmem>>, vector<16xf32>,
        } else {
        }
        %jit3A_259 = arith.constant 2 : i32
        %eq3A_260 = arith.constant 0 : i32
        %eq3A_261 = arith.cmpi eq, %jit3A_259, %eq3A_260 : i32
        %jit3A_262 = arith.constant 1 : i32
        %select_n3A_263 = arith.select %eq3A_261, %jit3A_262, %jit3A_259 : i32
        %rem3A_264 = arith.remsi %while3A_159, %select_n3A_263 : i32
        %ne3A_265 = arith.constant 0 : i32
        %ne3A_266 = arith.cmpi ne, %rem3A_264, %ne3A_265 : i32
        %lt3A_267 = arith.constant 0 : i32
        %lt3A_268 = arith.cmpi slt, %rem3A_264, %lt3A_267 : i32
        %lt3A_269 = arith.constant 0 : i32
        %lt3A_270 = arith.cmpi slt, %select_n3A_263, %lt3A_269 : i32
        %ne3A_271 = arith.xori %lt3A_268, %lt3A_270 : i1
        %and3A_272 = arith.andi %ne3A_271, %ne3A_266 : i1
        %add3A_273 = arith.addi %rem3A_264, %select_n3A_263 : i32
        %select_n3A_274 = arith.select %and3A_272, %add3A_273, %rem3A_264 : i32
        %eq3A_275 = arith.constant 1 : i32
        %eq3A_276 = arith.cmpi eq, %select_n3A_274, %eq3A_275 : i32
        %convert_element_type3A_277 = arith.extui %eq3A_276 : i1 to i32
        %cond3A_278 = arith.constant 0 : i32
        %cond3A_279 = arith.cmpi ne, %convert_element_type3A_277, %cond3A_278 : i32
        scf.if %cond3A_279 {
          %gather3A_289 = tpu.vector_load_idx %arg18[%add3A_125, %and3A_235] : memref<64x128xf32, #tpu.memory_space<vmem>>[vector<16xi32>, vector<16xi32>], vector<16xf32>,
          %swap3A = arith.index_cast %and3A_237 : i32 to index
          %swap3A_290 = arith.constant 0 : index
          %swap3A_291 = tpu.vector_load %arg19[%swap3A, %swap3A_290] {strides = array<i32>} : memref<128x64xf32, #tpu.memory_space<vmem>>, vector<16xf32>,
          tpu.vector_store %arg19[%swap3A, %swap3A_290], %gather3A_289 {strides = array<i32>} : memref<128x64xf32, #tpu.memory_space<vmem>>, vector<16xf32>,
          %gather3A_292 = tpu.vector_load_idx %arg18[%add3A_128, %and3A_235] : memref<64x128xf32, #tpu.memory_space<vmem>>[vector<16xi32>, vector<16xi32>], vector<16xf32>,
          %swap3A_293 = arith.index_cast %and3A_237 : i32 to index
          %swap3A_294 = arith.constant 16 : index
          %swap3A_295 = tpu.vector_load %arg19[%swap3A_293, %swap3A_294] {strides = array<i32>} : memref<128x64xf32, #tpu.memory_space<vmem>>, vector<16xf32>,
          tpu.vector_store %arg19[%swap3A_293, %swap3A_294], %gather3A_292 {strides = array<i32>} : memref<128x64xf32, #tpu.memory_space<vmem>>, vector<16xf32>,
          %gather3A_296 = tpu.vector_load_idx %arg18[%add3A_131, %and3A_235] : memref<64x128xf32, #tpu.memory_space<vmem>>[vector<16xi32>, vector<16xi32>], vector<16xf32>,
          %swap3A_297 = arith.index_cast %and3A_237 : i32 to index
          %swap3A_298 = arith.constant 32 : index
          %swap3A_299 = tpu.vector_load %arg19[%swap3A_297, %swap3A_298] {strides = array<i32>} : memref<128x64xf32, #tpu.memory_space<vmem>>, vector<16xf32>,
          tpu.vector_store %arg19[%swap3A_297, %swap3A_298], %gather3A_296 {strides = array<i32>} : memref<128x64xf32, #tpu.memory_space<vmem>>, vector<16xf32>,
          %gather3A_300 = tpu.vector_load_idx %arg18[%add3A_134, %and3A_235] : memref<64x128xf32, #tpu.memory_space<vmem>>[vector<16xi32>, vector<16xi32>], vector<16xf32>,
          %swap3A_301 = arith.index_cast %and3A_237 : i32 to index
          %swap3A_302 = arith.constant 48 : index
          %swap3A_303 = tpu.vector_load %arg19[%swap3A_301, %swap3A_302] {strides = array<i32>} : memref<128x64xf32, #tpu.memory_space<vmem>>, vector<16xf32>,
          tpu.vector_store %arg19[%swap3A_301, %swap3A_302], %gather3A_300 {strides = array<i32>} : memref<128x64xf32, #tpu.memory_space<vmem>>, vector<16xf32>,
        } else {
        }
        %dma_start3A_280 = arith.constant 0 : i32
        %dma_start3A_281 = tpu.memref_slice %arg19[%and3A_237, %dma_start3A_280] : memref<128x64xf32, #tpu.memory_space<vmem>> -> memref<1x64xf32, #tpu.memory_space<vmem>>
        %dma_start3A_282 = arith.constant 0 : i32
        %dma_start3A_283 = tpu.memref_slice %arg6[%squeeze3A_232, %dma_start3A_282] : memref<49152x64xf32, #tpu.memory_space<hbm>> -> memref<1x64xf32, #tpu.memory_space<hbm>>
        %dma_start3A_284 = arith.constant 0 : i32
        %dma_start3A_285 = tpu.memref_slice %arg6[%squeeze3A_232, %dma_start3A_284] : memref<49152x64xf32, #tpu.memory_space<hbm>> -> memref<1x64xf32, #tpu.memory_space<hbm>>
        %dma_start3A_286 = arith.constant 0 : i32
        %dma_start3A_287 = tpu.memref_slice %arg19[%and3A_237, %dma_start3A_286] : memref<128x64xf32, #tpu.memory_space<vmem>> -> memref<1x64xf32, #tpu.memory_space<vmem>>
        tpu.enqueue_dma source(%dma_start3A_287 : memref<1x64xf32, #tpu.memory_space<vmem>>) target(%dma_start3A_285 : memref<1x64xf32, #tpu.memory_space<hbm>>) target_semaphore(%arg22 : memref<!tpu.dma_semaphore, #tpu.memory_space<semaphore_mem>>)
        %while3A_288 = arith.constant 0 : i32
        scf.yield %while3A_288 : i32
      }
      %while3A_222 = arith.constant 1 : i32
      %while3A_223 = scf.for %while3A_225 = %while3A_219 to %while3A_215 step %while3A_222 iter_args(%while3A_226 = %while3A_221) -> (i32)  : i32 {
        %broadcast_in_dim3A_227 = vector.broadcast %while3A_225 : i32 to vector<16xi32>
        %gather3A_228 = tpu.vector_load_idx %arg12[%broadcast_in_dim3A_227] : memref<4096xi32, #tpu.memory_space<vmem>>[vector<16xi32>], vector<16xi32>,
        %broadcast_in_dim3A_229 = vector.broadcast %while3A_225 : i32 to vector<16xi32>
        %gather3A_230 = tpu.vector_load_idx %arg13[%broadcast_in_dim3A_229] : memref<4096xi32, #tpu.memory_space<vmem>>[vector<16xi32>], vector<16xi32>,
        %slice3A_231 = vector.extract_strided_slice %gather3A_230 {offsets = [0], sizes = [1], strides = [1]} : vector<16xi32> to vector<1xi32>
        %squeeze3A_232 = vector.extract %slice3A_231[0] : i32 from vector<1xi32>
        %and3A_233 = arith.constant 127 : i32
        %and3A_234 = vector.broadcast %and3A_233 : i32 to vector<16xi32>
        %and3A_235 = arith.andi %gather3A_228, %and3A_234 : vector<16xi32>
        %and3A_236 = arith.constant 127 : i32
        %and3A_237 = arith.andi %while3A_225, %and3A_236 : i32
        %jit3A_238 = arith.constant 2 : i32
        %eq3A_239 = arith.constant 0 : i32
        %eq3A_240 = arith.cmpi eq, %jit3A_238, %eq3A_239 : i32
        %jit3A_241 = arith.constant 1 : i32
        %select_n3A_242 = arith.select %eq3A_240, %jit3A_241, %jit3A_238 : i32
        %rem3A_243 = arith.remsi %while3A_159, %select_n3A_242 : i32
        %ne3A_244 = arith.constant 0 : i32
        %ne3A_245 = arith.cmpi ne, %rem3A_243, %ne3A_244 : i32
        %lt3A_246 = arith.constant 0 : i32
        %lt3A_247 = arith.cmpi slt, %rem3A_243, %lt3A_246 : i32
        %lt3A_248 = arith.constant 0 : i32
        %lt3A_249 = arith.cmpi slt, %select_n3A_242, %lt3A_248 : i32
        %ne3A_250 = arith.xori %lt3A_247, %lt3A_249 : i1
        %and3A_251 = arith.andi %ne3A_250, %ne3A_245 : i1
        %add3A_252 = arith.addi %rem3A_243, %select_n3A_242 : i32
        %select_n3A_253 = arith.select %and3A_251, %add3A_252, %rem3A_243 : i32
        %eq3A_254 = arith.constant 0 : i32
        %eq3A_255 = arith.cmpi eq, %select_n3A_253, %eq3A_254 : i32
        %convert_element_type3A_256 = arith.extui %eq3A_255 : i1 to i32
        %cond3A_257 = arith.constant 0 : i32
        %cond3A_258 = arith.cmpi ne, %convert_element_type3A_256, %cond3A_257 : i32
        scf.if %cond3A_258 {
          %gather3A_289 = tpu.vector_load_idx %arg17[%add3A_125, %and3A_235] : memref<64x128xf32, #tpu.memory_space<vmem>>[vector<16xi32>, vector<16xi32>], vector<16xf32>,
          %swap3A = arith.index_cast %and3A_237 : i32 to index
          %swap3A_290 = arith.constant 0 : index
          %swap3A_291 = tpu.vector_load %arg19[%swap3A, %swap3A_290] {strides = array<i32>} : memref<128x64xf32, #tpu.memory_space<vmem>>, vector<16xf32>,
          tpu.vector_store %arg19[%swap3A, %swap3A_290], %gather3A_289 {strides = array<i32>} : memref<128x64xf32, #tpu.memory_space<vmem>>, vector<16xf32>,
          %gather3A_292 = tpu.vector_load_idx %arg17[%add3A_128, %and3A_235] : memref<64x128xf32, #tpu.memory_space<vmem>>[vector<16xi32>, vector<16xi32>], vector<16xf32>,
          %swap3A_293 = arith.index_cast %and3A_237 : i32 to index
          %swap3A_294 = arith.constant 16 : index
          %swap3A_295 = tpu.vector_load %arg19[%swap3A_293, %swap3A_294] {strides = array<i32>} : memref<128x64xf32, #tpu.memory_space<vmem>>, vector<16xf32>,
          tpu.vector_store %arg19[%swap3A_293, %swap3A_294], %gather3A_292 {strides = array<i32>} : memref<128x64xf32, #tpu.memory_space<vmem>>, vector<16xf32>,
          %gather3A_296 = tpu.vector_load_idx %arg17[%add3A_131, %and3A_235] : memref<64x128xf32, #tpu.memory_space<vmem>>[vector<16xi32>, vector<16xi32>], vector<16xf32>,
          %swap3A_297 = arith.index_cast %and3A_237 : i32 to index
          %swap3A_298 = arith.constant 32 : index
          %swap3A_299 = tpu.vector_load %arg19[%swap3A_297, %swap3A_298] {strides = array<i32>} : memref<128x64xf32, #tpu.memory_space<vmem>>, vector<16xf32>,
          tpu.vector_store %arg19[%swap3A_297, %swap3A_298], %gather3A_296 {strides = array<i32>} : memref<128x64xf32, #tpu.memory_space<vmem>>, vector<16xf32>,
          %gather3A_300 = tpu.vector_load_idx %arg17[%add3A_134, %and3A_235] : memref<64x128xf32, #tpu.memory_space<vmem>>[vector<16xi32>, vector<16xi32>], vector<16xf32>,
          %swap3A_301 = arith.index_cast %and3A_237 : i32 to index
          %swap3A_302 = arith.constant 48 : index
          %swap3A_303 = tpu.vector_load %arg19[%swap3A_301, %swap3A_302] {strides = array<i32>} : memref<128x64xf32, #tpu.memory_space<vmem>>, vector<16xf32>,
          tpu.vector_store %arg19[%swap3A_301, %swap3A_302], %gather3A_300 {strides = array<i32>} : memref<128x64xf32, #tpu.memory_space<vmem>>, vector<16xf32>,
        } else {
        }
        %jit3A_259 = arith.constant 2 : i32
        %eq3A_260 = arith.constant 0 : i32
        %eq3A_261 = arith.cmpi eq, %jit3A_259, %eq3A_260 : i32
        %jit3A_262 = arith.constant 1 : i32
        %select_n3A_263 = arith.select %eq3A_261, %jit3A_262, %jit3A_259 : i32
        %rem3A_264 = arith.remsi %while3A_159, %select_n3A_263 : i32
        %ne3A_265 = arith.constant 0 : i32
        %ne3A_266 = arith.cmpi ne, %rem3A_264, %ne3A_265 : i32
        %lt3A_267 = arith.constant 0 : i32
        %lt3A_268 = arith.cmpi slt, %rem3A_264, %lt3A_267 : i32
        %lt3A_269 = arith.constant 0 : i32
        %lt3A_270 = arith.cmpi slt, %select_n3A_263, %lt3A_269 : i32
        %ne3A_271 = arith.xori %lt3A_268, %lt3A_270 : i1
        %and3A_272 = arith.andi %ne3A_271, %ne3A_266 : i1
        %add3A_273 = arith.addi %rem3A_264, %select_n3A_263 : i32
        %select_n3A_274 = arith.select %and3A_272, %add3A_273, %rem3A_264 : i32
        %eq3A_275 = arith.constant 1 : i32
        %eq3A_276 = arith.cmpi eq, %select_n3A_274, %eq3A_275 : i32
        %convert_element_type3A_277 = arith.extui %eq3A_276 : i1 to i32
        %cond3A_278 = arith.constant 0 : i32
        %cond3A_279 = arith.cmpi ne, %convert_element_type3A_277, %cond3A_278 : i32
        scf.if %cond3A_279 {
          %gather3A_289 = tpu.vector_load_idx %arg18[%add3A_125, %and3A_235] : memref<64x128xf32, #tpu.memory_space<vmem>>[vector<16xi32>, vector<16xi32>], vector<16xf32>,
          %swap3A = arith.index_cast %and3A_237 : i32 to index
          %swap3A_290 = arith.constant 0 : index
          %swap3A_291 = tpu.vector_load %arg19[%swap3A, %swap3A_290] {strides = array<i32>} : memref<128x64xf32, #tpu.memory_space<vmem>>, vector<16xf32>,
          tpu.vector_store %arg19[%swap3A, %swap3A_290], %gather3A_289 {strides = array<i32>} : memref<128x64xf32, #tpu.memory_space<vmem>>, vector<16xf32>,
          %gather3A_292 = tpu.vector_load_idx %arg18[%add3A_128, %and3A_235] : memref<64x128xf32, #tpu.memory_space<vmem>>[vector<16xi32>, vector<16xi32>], vector<16xf32>,
          %swap3A_293 = arith.index_cast %and3A_237 : i32 to index
          %swap3A_294 = arith.constant 16 : index
          %swap3A_295 = tpu.vector_load %arg19[%swap3A_293, %swap3A_294] {strides = array<i32>} : memref<128x64xf32, #tpu.memory_space<vmem>>, vector<16xf32>,
          tpu.vector_store %arg19[%swap3A_293, %swap3A_294], %gather3A_292 {strides = array<i32>} : memref<128x64xf32, #tpu.memory_space<vmem>>, vector<16xf32>,
          %gather3A_296 = tpu.vector_load_idx %arg18[%add3A_131, %and3A_235] : memref<64x128xf32, #tpu.memory_space<vmem>>[vector<16xi32>, vector<16xi32>], vector<16xf32>,
          %swap3A_297 = arith.index_cast %and3A_237 : i32 to index
          %swap3A_298 = arith.constant 32 : index
          %swap3A_299 = tpu.vector_load %arg19[%swap3A_297, %swap3A_298] {strides = array<i32>} : memref<128x64xf32, #tpu.memory_space<vmem>>, vector<16xf32>,
          tpu.vector_store %arg19[%swap3A_297, %swap3A_298], %gather3A_296 {strides = array<i32>} : memref<128x64xf32, #tpu.memory_space<vmem>>, vector<16xf32>,
          %gather3A_300 = tpu.vector_load_idx %arg18[%add3A_134, %and3A_235] : memref<64x128xf32, #tpu.memory_space<vmem>>[vector<16xi32>, vector<16xi32>], vector<16xf32>,
          %swap3A_301 = arith.index_cast %and3A_237 : i32 to index
          %swap3A_302 = arith.constant 48 : index
          %swap3A_303 = tpu.vector_load %arg19[%swap3A_301, %swap3A_302] {strides = array<i32>} : memref<128x64xf32, #tpu.memory_space<vmem>>, vector<16xf32>,
          tpu.vector_store %arg19[%swap3A_301, %swap3A_302], %gather3A_300 {strides = array<i32>} : memref<128x64xf32, #tpu.memory_space<vmem>>, vector<16xf32>,
        } else {
        }
        %dma_start3A_280 = arith.constant 0 : i32
        %dma_start3A_281 = tpu.memref_slice %arg19[%and3A_237, %dma_start3A_280] : memref<128x64xf32, #tpu.memory_space<vmem>> -> memref<1x64xf32, #tpu.memory_space<vmem>>
        %dma_start3A_282 = arith.constant 0 : i32
        %dma_start3A_283 = tpu.memref_slice %arg6[%squeeze3A_232, %dma_start3A_282] : memref<49152x64xf32, #tpu.memory_space<hbm>> -> memref<1x64xf32, #tpu.memory_space<hbm>>
        %dma_start3A_284 = arith.constant 0 : i32
        %dma_start3A_285 = tpu.memref_slice %arg6[%squeeze3A_232, %dma_start3A_284] : memref<49152x64xf32, #tpu.memory_space<hbm>> -> memref<1x64xf32, #tpu.memory_space<hbm>>
        %dma_start3A_286 = arith.constant 0 : i32
        %dma_start3A_287 = tpu.memref_slice %arg19[%and3A_237, %dma_start3A_286] : memref<128x64xf32, #tpu.memory_space<vmem>> -> memref<1x64xf32, #tpu.memory_space<vmem>>
        tpu.enqueue_dma source(%dma_start3A_287 : memref<1x64xf32, #tpu.memory_space<vmem>>) target(%dma_start3A_285 : memref<1x64xf32, #tpu.memory_space<hbm>>) target_semaphore(%arg22 : memref<!tpu.dma_semaphore, #tpu.memory_space<semaphore_mem>>)
        %while3A_288 = arith.constant 0 : i32
        scf.yield %while3A_288 : i32
      }
      %while3A_224 = arith.constant 0 : i32
      scf.yield %while3A_224 : i32
    }
    %while3A_145 = arith.constant 1 : i32
    %while3A_146 = scf.for %while3A_159 = %while3A_142 to %while3A_138 step %while3A_145 iter_args(%while3A_160 = %while3A_144) -> (i32)  : i32 {
      %jit3A_161 = arith.constant 2 : i32
      %eq3A_162 = arith.constant 0 : i32
      %eq3A_163 = arith.cmpi eq, %jit3A_161, %eq3A_162 : i32
      %jit3A_164 = arith.constant 1 : i32
      %select_n3A_165 = arith.select %eq3A_163, %jit3A_164, %jit3A_161 : i32
      %rem3A_166 = arith.remsi %while3A_159, %select_n3A_165 : i32
      %ne3A_167 = arith.constant 0 : i32
      %ne3A_168 = arith.cmpi ne, %rem3A_166, %ne3A_167 : i32
      %lt3A = arith.constant 0 : i32
      %lt3A_169 = arith.cmpi slt, %rem3A_166, %lt3A : i32
      %lt3A_170 = arith.constant 0 : i32
      %lt3A_171 = arith.cmpi slt, %select_n3A_165, %lt3A_170 : i32
      %ne3A_172 = arith.xori %lt3A_169, %lt3A_171 : i1
      %and3A_173 = arith.andi %ne3A_172, %ne3A_168 : i1
      %add3A_174 = arith.addi %rem3A_166, %select_n3A_165 : i32
      %select_n3A_175 = arith.select %and3A_173, %add3A_174, %rem3A_166 : i32
      %eq3A_176 = arith.constant 0 : i32
      %eq3A_177 = arith.cmpi eq, %select_n3A_175, %eq3A_176 : i32
      %convert_element_type3A = arith.extui %eq3A_177 : i1 to i32
      %cond3A = arith.constant 0 : i32
      %cond3A_178 = arith.cmpi ne, %convert_element_type3A, %cond3A : i32
      scf.if %cond3A_178 {
        %dma_wait3A = arith.constant 0 : i32
        %dma_wait3A_225 = arith.constant 0 : i32
        %dma_wait3A_226 = tpu.memref_slice %arg5[%dma_wait3A, %dma_wait3A_225] : memref<64x1000000xf32, #tpu.memory_space<hbm>> -> memref<64x128xf32, #tpu.memory_space<hbm>>
        %dma_wait3A_227 = arith.constant 0 : i32
        %dma_wait3A_228 = arith.constant 0 : i32
        %dma_wait3A_229 = tpu.memref_slice %arg5[%dma_wait3A_227, %dma_wait3A_228] : memref<64x1000000xf32, #tpu.memory_space<hbm>> -> memref<64x128xf32, #tpu.memory_space<hbm>>
        tpu.wait_dma2 semaphore(%arg21 : memref<!tpu.dma_semaphore, #tpu.memory_space<semaphore_mem>>) src(%dma_wait3A_229 : memref<64x128xf32, #tpu.memory_space<hbm>>) dst(%arg17 : memref<64x128xf32, #tpu.memory_space<vmem>>)
      } else {
      }
      %jit3A_179 = arith.constant 2 : i32
      %eq3A_180 = arith.constant 0 : i32
      %eq3A_181 = arith.cmpi eq, %jit3A_179, %eq3A_180 : i32
      %jit3A_182 = arith.constant 1 : i32
      %select_n3A_183 = arith.select %eq3A_181, %jit3A_182, %jit3A_179 : i32
      %rem3A_184 = arith.remsi %while3A_159, %select_n3A_183 : i32
      %ne3A_185 = arith.constant 0 : i32
      %ne3A_186 = arith.cmpi ne, %rem3A_184, %ne3A_185 : i32
      %lt3A_187 = arith.constant 0 : i32
      %lt3A_188 = arith.cmpi slt, %rem3A_184, %lt3A_187 : i32
      %lt3A_189 = arith.constant 0 : i32
      %lt3A_190 = arith.cmpi slt, %select_n3A_183, %lt3A_189 : i32
      %ne3A_191 = arith.xori %lt3A_188, %lt3A_190 : i1
      %and3A_192 = arith.andi %ne3A_191, %ne3A_186 : i1
      %add3A_193 = arith.addi %rem3A_184, %select_n3A_183 : i32
      %select_n3A_194 = arith.select %and3A_192, %add3A_193, %rem3A_184 : i32
      %eq3A_195 = arith.constant 1 : i32
      %eq3A_196 = arith.cmpi eq, %select_n3A_194, %eq3A_195 : i32
      %convert_element_type3A_197 = arith.extui %eq3A_196 : i1 to i32
      %cond3A_198 = arith.constant 0 : i32
      %cond3A_199 = arith.cmpi ne, %convert_element_type3A_197, %cond3A_198 : i32
      scf.if %cond3A_199 {
        %dma_wait3A = arith.constant 0 : i32
        %dma_wait3A_225 = arith.constant 0 : i32
        %dma_wait3A_226 = tpu.memref_slice %arg5[%dma_wait3A, %dma_wait3A_225] : memref<64x1000000xf32, #tpu.memory_space<hbm>> -> memref<64x128xf32, #tpu.memory_space<hbm>>
        %dma_wait3A_227 = arith.constant 0 : i32
        %dma_wait3A_228 = arith.constant 0 : i32
        %dma_wait3A_229 = tpu.memref_slice %arg5[%dma_wait3A_227, %dma_wait3A_228] : memref<64x1000000xf32, #tpu.memory_space<hbm>> -> memref<64x128xf32, #tpu.memory_space<hbm>>
        tpu.wait_dma2 semaphore(%arg21 : memref<!tpu.dma_semaphore, #tpu.memory_space<semaphore_mem>>) src(%dma_wait3A_229 : memref<64x128xf32, #tpu.memory_space<hbm>>) dst(%arg18 : memref<64x128xf32, #tpu.memory_space<vmem>>)
      } else {
      }
      %add3A_200 = arith.constant 1 : i32
      %add3A_201 = arith.addi %while3A_159, %add3A_200 : i32
      %lt3A_202 = arith.cmpi slt, %add3A_201, %sub3A_117 : i32
      %convert_element_type3A_203 = arith.extui %lt3A_202 : i1 to i32
      %cond3A_204 = arith.constant 0 : i32
      %cond3A_205 = arith.cmpi ne, %convert_element_type3A_203, %cond3A_204 : i32
      scf.if %cond3A_205 {
        %add3A_225 = arith.constant 1 : i32
        %add3A_226 = arith.addi %while3A_159, %add3A_225 : i32
        %jit3A_227 = arith.constant 2 : i32
        %eq3A_228 = arith.constant 0 : i32
        %eq3A_229 = arith.cmpi eq, %jit3A_227, %eq3A_228 : i32
        %jit3A_230 = arith.constant 1 : i32
        %select_n3A_231 = arith.select %eq3A_229, %jit3A_230, %jit3A_227 : i32
        %rem3A_232 = arith.remsi %add3A_226, %select_n3A_231 : i32
        %ne3A_233 = arith.constant 0 : i32
        %ne3A_234 = arith.cmpi ne, %rem3A_232, %ne3A_233 : i32
        %lt3A_235 = arith.constant 0 : i32
        %lt3A_236 = arith.cmpi slt, %rem3A_232, %lt3A_235 : i32
        %lt3A_237 = arith.constant 0 : i32
        %lt3A_238 = arith.cmpi slt, %select_n3A_231, %lt3A_237 : i32
        %ne3A_239 = arith.xori %lt3A_236, %lt3A_238 : i1
        %and3A_240 = arith.andi %ne3A_239, %ne3A_234 : i1
        %add3A_241 = arith.addi %rem3A_232, %select_n3A_231 : i32
        %select_n3A_242 = arith.select %and3A_240, %add3A_241, %rem3A_232 : i32
        %eq3A_243 = arith.constant 0 : i32
        %eq3A_244 = arith.cmpi eq, %select_n3A_242, %eq3A_243 : i32
        %convert_element_type3A_245 = arith.extui %eq3A_244 : i1 to i32
        %cond3A_246 = arith.constant 0 : i32
        %cond3A_247 = arith.cmpi ne, %convert_element_type3A_245, %cond3A_246 : i32
        scf.if %cond3A_247 {
          %add3A_271 = arith.addi %select_n3A, %while3A_159 : i32
          %add3A_272 = arith.constant 1 : i32
          %add3A_273 = arith.addi %add3A_271, %add3A_272 : i32
          %mul3A_274 = arith.constant 128 : i32
          %mul3A_275 = arith.muli %add3A_273, %mul3A_274 : i32
          %dma_start3A_276 = arith.constant 0 : i32
          %dma_start3A_277 = tpu.memref_slice %arg5[%dma_start3A_276, %mul3A_275] : memref<64x1000000xf32, #tpu.memory_space<hbm>> -> memref<64x128xf32, #tpu.memory_space<hbm>>
          %dma_start3A_278 = arith.constant 0 : i32
          %dma_start3A_279 = tpu.memref_slice %arg5[%dma_start3A_278, %mul3A_275] : memref<64x1000000xf32, #tpu.memory_space<hbm>> -> memref<64x128xf32, #tpu.memory_space<hbm>>
          tpu.enqueue_dma source(%dma_start3A_279 : memref<64x128xf32, #tpu.memory_space<hbm>>) target(%arg17 : memref<64x128xf32, #tpu.memory_space<vmem>>) target_semaphore(%arg21 : memref<!tpu.dma_semaphore, #tpu.memory_space<semaphore_mem>>)
        } else {
        }
        %add3A_248 = arith.constant 1 : i32
        %add3A_249 = arith.addi %while3A_159, %add3A_248 : i32
        %jit3A_250 = arith.constant 2 : i32
        %eq3A_251 = arith.constant 0 : i32
        %eq3A_252 = arith.cmpi eq, %jit3A_250, %eq3A_251 : i32
        %jit3A_253 = arith.constant 1 : i32
        %select_n3A_254 = arith.select %eq3A_252, %jit3A_253, %jit3A_250 : i32
        %rem3A_255 = arith.remsi %add3A_249, %select_n3A_254 : i32
        %ne3A_256 = arith.constant 0 : i32
        %ne3A_257 = arith.cmpi ne, %rem3A_255, %ne3A_256 : i32
        %lt3A_258 = arith.constant 0 : i32
        %lt3A_259 = arith.cmpi slt, %rem3A_255, %lt3A_258 : i32
        %lt3A_260 = arith.constant 0 : i32
        %lt3A_261 = arith.cmpi slt, %select_n3A_254, %lt3A_260 : i32
        %ne3A_262 = arith.xori %lt3A_259, %lt3A_261 : i1
        %and3A_263 = arith.andi %ne3A_262, %ne3A_257 : i1
        %add3A_264 = arith.addi %rem3A_255, %select_n3A_254 : i32
        %select_n3A_265 = arith.select %and3A_263, %add3A_264, %rem3A_255 : i32
        %eq3A_266 = arith.constant 1 : i32
        %eq3A_267 = arith.cmpi eq, %select_n3A_265, %eq3A_266 : i32
        %convert_element_type3A_268 = arith.extui %eq3A_267 : i1 to i32
        %cond3A_269 = arith.constant 0 : i32
        %cond3A_270 = arith.cmpi ne, %convert_element_type3A_268, %cond3A_269 : i32
        scf.if %cond3A_270 {
          %add3A_271 = arith.addi %select_n3A, %while3A_159 : i32
          %add3A_272 = arith.constant 1 : i32
          %add3A_273 = arith.addi %add3A_271, %add3A_272 : i32
          %mul3A_274 = arith.constant 128 : i32
          %mul3A_275 = arith.muli %add3A_273, %mul3A_274 : i32
          %dma_start3A_276 = arith.constant 0 : i32
          %dma_start3A_277 = tpu.memref_slice %arg5[%dma_start3A_276, %mul3A_275] : memref<64x1000000xf32, #tpu.memory_space<hbm>> -> memref<64x128xf32, #tpu.memory_space<hbm>>
          %dma_start3A_278 = arith.constant 0 : i32
          %dma_start3A_279 = tpu.memref_slice %arg5[%dma_start3A_278, %mul3A_275] : memref<64x1000000xf32, #tpu.memory_space<hbm>> -> memref<64x128xf32, #tpu.memory_space<hbm>>
          tpu.enqueue_dma source(%dma_start3A_279 : memref<64x128xf32, #tpu.memory_space<hbm>>) target(%arg18 : memref<64x128xf32, #tpu.memory_space<vmem>>) target_semaphore(%arg21 : memref<!tpu.dma_semaphore, #tpu.memory_space<semaphore_mem>>)
        } else {
        }
      } else {
      }
      %broadcast_in_dim3A_206 = vector.broadcast %while3A_159 : i32 to vector<16xi32>
      %gather3A = tpu.vector_load_idx %arg15[%broadcast_in_dim3A_206] : memref<272xi32, #tpu.memory_space<vmem>>[vector<16xi32>], vector<16xi32>,
      %slice3A = vector.extract_strided_slice %gather3A {offsets = [0], sizes = [1], strides = [1]} : vector<16xi32> to vector<1xi32>
      %squeeze3A = vector.extract %slice3A[0] : i32 from vector<1xi32>
      %add3A_207 = arith.constant 1 : i32
      %add3A_208 = arith.addi %while3A_159, %add3A_207 : i32
      %broadcast_in_dim3A_209 = vector.broadcast %add3A_208 : i32 to vector<16xi32>
      %gather3A_210 = tpu.vector_load_idx %arg15[%broadcast_in_dim3A_209] : memref<272xi32, #tpu.memory_space<vmem>>[vector<16xi32>], vector<16xi32>,
      %slice3A_211 = vector.extract_strided_slice %gather3A_210 {offsets = [0], sizes = [1], strides = [1]} : vector<16xi32> to vector<1xi32>
      %squeeze3A_212 = vector.extract %slice3A_211[0] : i32 from vector<1xi32>
      %while3A_213 = arith.constant 0 : i32
      %while3A_214 = arith.subi %squeeze3A_212, %squeeze3A : i32
      %while3A_215 = arith.addi %squeeze3A, %while3A_214 : i32
      %while3A_216 = arith.constant 1 : i32
      %while3A_217 = arith.divsi %while3A_214, %while3A_216 : i32
      %while3A_218 = arith.muli %while3A_217, %while3A_216 : i32
      %while3A_219 = arith.addi %squeeze3A, %while3A_218 : i32
      %while3A_220 = arith.constant 1 : i32
      %while3A_221 = scf.for %while3A_225 = %squeeze3A to %while3A_219 step %while3A_220 iter_args(%while3A_226 = %while3A_213) -> (i32)  : i32 {
        %broadcast_in_dim3A_227 = vector.broadcast %while3A_225 : i32 to vector<16xi32>
        %gather3A_228 = tpu.vector_load_idx %arg12[%broadcast_in_dim3A_227] : memref<4096xi32, #tpu.memory_space<vmem>>[vector<16xi32>], vector<16xi32>,
        %broadcast_in_dim3A_229 = vector.broadcast %while3A_225 : i32 to vector<16xi32>
        %gather3A_230 = tpu.vector_load_idx %arg13[%broadcast_in_dim3A_229] : memref<4096xi32, #tpu.memory_space<vmem>>[vector<16xi32>], vector<16xi32>,
        %slice3A_231 = vector.extract_strided_slice %gather3A_230 {offsets = [0], sizes = [1], strides = [1]} : vector<16xi32> to vector<1xi32>
        %squeeze3A_232 = vector.extract %slice3A_231[0] : i32 from vector<1xi32>
        %and3A_233 = arith.constant 127 : i32
        %and3A_234 = vector.broadcast %and3A_233 : i32 to vector<16xi32>
        %and3A_235 = arith.andi %gather3A_228, %and3A_234 : vector<16xi32>
        %and3A_236 = arith.constant 127 : i32
        %and3A_237 = arith.andi %while3A_225, %and3A_236 : i32
        %jit3A_238 = arith.constant 2 : i32
        %eq3A_239 = arith.constant 0 : i32
        %eq3A_240 = arith.cmpi eq, %jit3A_238, %eq3A_239 : i32
        %jit3A_241 = arith.constant 1 : i32
        %select_n3A_242 = arith.select %eq3A_240, %jit3A_241, %jit3A_238 : i32
        %rem3A_243 = arith.remsi %while3A_159, %select_n3A_242 : i32
        %ne3A_244 = arith.constant 0 : i32
        %ne3A_245 = arith.cmpi ne, %rem3A_243, %ne3A_244 : i32
        %lt3A_246 = arith.constant 0 : i32
        %lt3A_247 = arith.cmpi slt, %rem3A_243, %lt3A_246 : i32
        %lt3A_248 = arith.constant 0 : i32
        %lt3A_249 = arith.cmpi slt, %select_n3A_242, %lt3A_248 : i32
        %ne3A_250 = arith.xori %lt3A_247, %lt3A_249 : i1
        %and3A_251 = arith.andi %ne3A_250, %ne3A_245 : i1
        %add3A_252 = arith.addi %rem3A_243, %select_n3A_242 : i32
        %select_n3A_253 = arith.select %and3A_251, %add3A_252, %rem3A_243 : i32
        %eq3A_254 = arith.constant 0 : i32
        %eq3A_255 = arith.cmpi eq, %select_n3A_253, %eq3A_254 : i32
        %convert_element_type3A_256 = arith.extui %eq3A_255 : i1 to i32
        %cond3A_257 = arith.constant 0 : i32
        %cond3A_258 = arith.cmpi ne, %convert_element_type3A_256, %cond3A_257 : i32
        scf.if %cond3A_258 {
          %gather3A_289 = tpu.vector_load_idx %arg17[%add3A_125, %and3A_235] : memref<64x128xf32, #tpu.memory_space<vmem>>[vector<16xi32>, vector<16xi32>], vector<16xf32>,
          %swap3A = arith.index_cast %and3A_237 : i32 to index
          %swap3A_290 = arith.constant 0 : index
          %swap3A_291 = tpu.vector_load %arg19[%swap3A, %swap3A_290] {strides = array<i32>} : memref<128x64xf32, #tpu.memory_space<vmem>>, vector<16xf32>,
          tpu.vector_store %arg19[%swap3A, %swap3A_290], %gather3A_289 {strides = array<i32>} : memref<128x64xf32, #tpu.memory_space<vmem>>, vector<16xf32>,
          %gather3A_292 = tpu.vector_load_idx %arg17[%add3A_128, %and3A_235] : memref<64x128xf32, #tpu.memory_space<vmem>>[vector<16xi32>, vector<16xi32>], vector<16xf32>,
          %swap3A_293 = arith.index_cast %and3A_237 : i32 to index
          %swap3A_294 = arith.constant 16 : index
          %swap3A_295 = tpu.vector_load %arg19[%swap3A_293, %swap3A_294] {strides = array<i32>} : memref<128x64xf32, #tpu.memory_space<vmem>>, vector<16xf32>,
          tpu.vector_store %arg19[%swap3A_293, %swap3A_294], %gather3A_292 {strides = array<i32>} : memref<128x64xf32, #tpu.memory_space<vmem>>, vector<16xf32>,
          %gather3A_296 = tpu.vector_load_idx %arg17[%add3A_131, %and3A_235] : memref<64x128xf32, #tpu.memory_space<vmem>>[vector<16xi32>, vector<16xi32>], vector<16xf32>,
          %swap3A_297 = arith.index_cast %and3A_237 : i32 to index
          %swap3A_298 = arith.constant 32 : index
          %swap3A_299 = tpu.vector_load %arg19[%swap3A_297, %swap3A_298] {strides = array<i32>} : memref<128x64xf32, #tpu.memory_space<vmem>>, vector<16xf32>,
          tpu.vector_store %arg19[%swap3A_297, %swap3A_298], %gather3A_296 {strides = array<i32>} : memref<128x64xf32, #tpu.memory_space<vmem>>, vector<16xf32>,
          %gather3A_300 = tpu.vector_load_idx %arg17[%add3A_134, %and3A_235] : memref<64x128xf32, #tpu.memory_space<vmem>>[vector<16xi32>, vector<16xi32>], vector<16xf32>,
          %swap3A_301 = arith.index_cast %and3A_237 : i32 to index
          %swap3A_302 = arith.constant 48 : index
          %swap3A_303 = tpu.vector_load %arg19[%swap3A_301, %swap3A_302] {strides = array<i32>} : memref<128x64xf32, #tpu.memory_space<vmem>>, vector<16xf32>,
          tpu.vector_store %arg19[%swap3A_301, %swap3A_302], %gather3A_300 {strides = array<i32>} : memref<128x64xf32, #tpu.memory_space<vmem>>, vector<16xf32>,
        } else {
        }
        %jit3A_259 = arith.constant 2 : i32
        %eq3A_260 = arith.constant 0 : i32
        %eq3A_261 = arith.cmpi eq, %jit3A_259, %eq3A_260 : i32
        %jit3A_262 = arith.constant 1 : i32
        %select_n3A_263 = arith.select %eq3A_261, %jit3A_262, %jit3A_259 : i32
        %rem3A_264 = arith.remsi %while3A_159, %select_n3A_263 : i32
        %ne3A_265 = arith.constant 0 : i32
        %ne3A_266 = arith.cmpi ne, %rem3A_264, %ne3A_265 : i32
        %lt3A_267 = arith.constant 0 : i32
        %lt3A_268 = arith.cmpi slt, %rem3A_264, %lt3A_267 : i32
        %lt3A_269 = arith.constant 0 : i32
        %lt3A_270 = arith.cmpi slt, %select_n3A_263, %lt3A_269 : i32
        %ne3A_271 = arith.xori %lt3A_268, %lt3A_270 : i1
        %and3A_272 = arith.andi %ne3A_271, %ne3A_266 : i1
        %add3A_273 = arith.addi %rem3A_264, %select_n3A_263 : i32
        %select_n3A_274 = arith.select %and3A_272, %add3A_273, %rem3A_264 : i32
        %eq3A_275 = arith.constant 1 : i32
        %eq3A_276 = arith.cmpi eq, %select_n3A_274, %eq3A_275 : i32
        %convert_element_type3A_277 = arith.extui %eq3A_276 : i1 to i32
        %cond3A_278 = arith.constant 0 : i32
        %cond3A_279 = arith.cmpi ne, %convert_element_type3A_277, %cond3A_278 : i32
        scf.if %cond3A_279 {
          %gather3A_289 = tpu.vector_load_idx %arg18[%add3A_125, %and3A_235] : memref<64x128xf32, #tpu.memory_space<vmem>>[vector<16xi32>, vector<16xi32>], vector<16xf32>,
          %swap3A = arith.index_cast %and3A_237 : i32 to index
          %swap3A_290 = arith.constant 0 : index
          %swap3A_291 = tpu.vector_load %arg19[%swap3A, %swap3A_290] {strides = array<i32>} : memref<128x64xf32, #tpu.memory_space<vmem>>, vector<16xf32>,
          tpu.vector_store %arg19[%swap3A, %swap3A_290], %gather3A_289 {strides = array<i32>} : memref<128x64xf32, #tpu.memory_space<vmem>>, vector<16xf32>,
          %gather3A_292 = tpu.vector_load_idx %arg18[%add3A_128, %and3A_235] : memref<64x128xf32, #tpu.memory_space<vmem>>[vector<16xi32>, vector<16xi32>], vector<16xf32>,
          %swap3A_293 = arith.index_cast %and3A_237 : i32 to index
          %swap3A_294 = arith.constant 16 : index
          %swap3A_295 = tpu.vector_load %arg19[%swap3A_293, %swap3A_294] {strides = array<i32>} : memref<128x64xf32, #tpu.memory_space<vmem>>, vector<16xf32>,
          tpu.vector_store %arg19[%swap3A_293, %swap3A_294], %gather3A_292 {strides = array<i32>} : memref<128x64xf32, #tpu.memory_space<vmem>>, vector<16xf32>,
          %gather3A_296 = tpu.vector_load_idx %arg18[%add3A_131, %and3A_235] : memref<64x128xf32, #tpu.memory_space<vmem>>[vector<16xi32>, vector<16xi32>], vector<16xf32>,
          %swap3A_297 = arith.index_cast %and3A_237 : i32 to index
          %swap3A_298 = arith.constant 32 : index
          %swap3A_299 = tpu.vector_load %arg19[%swap3A_297, %swap3A_298] {strides = array<i32>} : memref<128x64xf32, #tpu.memory_space<vmem>>, vector<16xf32>,
          tpu.vector_store %arg19[%swap3A_297, %swap3A_298], %gather3A_296 {strides = array<i32>} : memref<128x64xf32, #tpu.memory_space<vmem>>, vector<16xf32>,
          %gather3A_300 = tpu.vector_load_idx %arg18[%add3A_134, %and3A_235] : memref<64x128xf32, #tpu.memory_space<vmem>>[vector<16xi32>, vector<16xi32>], vector<16xf32>,
          %swap3A_301 = arith.index_cast %and3A_237 : i32 to index
          %swap3A_302 = arith.constant 48 : index
          %swap3A_303 = tpu.vector_load %arg19[%swap3A_301, %swap3A_302] {strides = array<i32>} : memref<128x64xf32, #tpu.memory_space<vmem>>, vector<16xf32>,
          tpu.vector_store %arg19[%swap3A_301, %swap3A_302], %gather3A_300 {strides = array<i32>} : memref<128x64xf32, #tpu.memory_space<vmem>>, vector<16xf32>,
        } else {
        }
        %dma_start3A_280 = arith.constant 0 : i32
        %dma_start3A_281 = tpu.memref_slice %arg19[%and3A_237, %dma_start3A_280] : memref<128x64xf32, #tpu.memory_space<vmem>> -> memref<1x64xf32, #tpu.memory_space<vmem>>
        %dma_start3A_282 = arith.constant 0 : i32
        %dma_start3A_283 = tpu.memref_slice %arg6[%squeeze3A_232, %dma_start3A_282] : memref<49152x64xf32, #tpu.memory_space<hbm>> -> memref<1x64xf32, #tpu.memory_space<hbm>>
        %dma_start3A_284 = arith.constant 0 : i32
        %dma_start3A_285 = tpu.memref_slice %arg6[%squeeze3A_232, %dma_start3A_284] : memref<49152x64xf32, #tpu.memory_space<hbm>> -> memref<1x64xf32, #tpu.memory_space<hbm>>
        %dma_start3A_286 = arith.constant 0 : i32
        %dma_start3A_287 = tpu.memref_slice %arg19[%and3A_237, %dma_start3A_286] : memref<128x64xf32, #tpu.memory_space<vmem>> -> memref<1x64xf32, #tpu.memory_space<vmem>>
        tpu.enqueue_dma source(%dma_start3A_287 : memref<1x64xf32, #tpu.memory_space<vmem>>) target(%dma_start3A_285 : memref<1x64xf32, #tpu.memory_space<hbm>>) target_semaphore(%arg22 : memref<!tpu.dma_semaphore, #tpu.memory_space<semaphore_mem>>)
        %while3A_288 = arith.constant 0 : i32
        scf.yield %while3A_288 : i32
      }
      %while3A_222 = arith.constant 1 : i32
      %while3A_223 = scf.for %while3A_225 = %while3A_219 to %while3A_215 step %while3A_222 iter_args(%while3A_226 = %while3A_221) -> (i32)  : i32 {
        %broadcast_in_dim3A_227 = vector.broadcast %while3A_225 : i32 to vector<16xi32>
        %gather3A_228 = tpu.vector_load_idx %arg12[%broadcast_in_dim3A_227] : memref<4096xi32, #tpu.memory_space<vmem>>[vector<16xi32>], vector<16xi32>,
        %broadcast_in_dim3A_229 = vector.broadcast %while3A_225 : i32 to vector<16xi32>
        %gather3A_230 = tpu.vector_load_idx %arg13[%broadcast_in_dim3A_229] : memref<4096xi32, #tpu.memory_space<vmem>>[vector<16xi32>], vector<16xi32>,
        %slice3A_231 = vector.extract_strided_slice %gather3A_230 {offsets = [0], sizes = [1], strides = [1]} : vector<16xi32> to vector<1xi32>
        %squeeze3A_232 = vector.extract %slice3A_231[0] : i32 from vector<1xi32>
        %and3A_233 = arith.constant 127 : i32
        %and3A_234 = vector.broadcast %and3A_233 : i32 to vector<16xi32>
        %and3A_235 = arith.andi %gather3A_228, %and3A_234 : vector<16xi32>
        %and3A_236 = arith.constant 127 : i32
        %and3A_237 = arith.andi %while3A_225, %and3A_236 : i32
        %jit3A_238 = arith.constant 2 : i32
        %eq3A_239 = arith.constant 0 : i32
        %eq3A_240 = arith.cmpi eq, %jit3A_238, %eq3A_239 : i32
        %jit3A_241 = arith.constant 1 : i32
        %select_n3A_242 = arith.select %eq3A_240, %jit3A_241, %jit3A_238 : i32
        %rem3A_243 = arith.remsi %while3A_159, %select_n3A_242 : i32
        %ne3A_244 = arith.constant 0 : i32
        %ne3A_245 = arith.cmpi ne, %rem3A_243, %ne3A_244 : i32
        %lt3A_246 = arith.constant 0 : i32
        %lt3A_247 = arith.cmpi slt, %rem3A_243, %lt3A_246 : i32
        %lt3A_248 = arith.constant 0 : i32
        %lt3A_249 = arith.cmpi slt, %select_n3A_242, %lt3A_248 : i32
        %ne3A_250 = arith.xori %lt3A_247, %lt3A_249 : i1
        %and3A_251 = arith.andi %ne3A_250, %ne3A_245 : i1
        %add3A_252 = arith.addi %rem3A_243, %select_n3A_242 : i32
        %select_n3A_253 = arith.select %and3A_251, %add3A_252, %rem3A_243 : i32
        %eq3A_254 = arith.constant 0 : i32
        %eq3A_255 = arith.cmpi eq, %select_n3A_253, %eq3A_254 : i32
        %convert_element_type3A_256 = arith.extui %eq3A_255 : i1 to i32
        %cond3A_257 = arith.constant 0 : i32
        %cond3A_258 = arith.cmpi ne, %convert_element_type3A_256, %cond3A_257 : i32
        scf.if %cond3A_258 {
          %gather3A_289 = tpu.vector_load_idx %arg17[%add3A_125, %and3A_235] : memref<64x128xf32, #tpu.memory_space<vmem>>[vector<16xi32>, vector<16xi32>], vector<16xf32>,
          %swap3A = arith.index_cast %and3A_237 : i32 to index
          %swap3A_290 = arith.constant 0 : index
          %swap3A_291 = tpu.vector_load %arg19[%swap3A, %swap3A_290] {strides = array<i32>} : memref<128x64xf32, #tpu.memory_space<vmem>>, vector<16xf32>,
          tpu.vector_store %arg19[%swap3A, %swap3A_290], %gather3A_289 {strides = array<i32>} : memref<128x64xf32, #tpu.memory_space<vmem>>, vector<16xf32>,
          %gather3A_292 = tpu.vector_load_idx %arg17[%add3A_128, %and3A_235] : memref<64x128xf32, #tpu.memory_space<vmem>>[vector<16xi32>, vector<16xi32>], vector<16xf32>,
          %swap3A_293 = arith.index_cast %and3A_237 : i32 to index
          %swap3A_294 = arith.constant 16 : index
          %swap3A_295 = tpu.vector_load %arg19[%swap3A_293, %swap3A_294] {strides = array<i32>} : memref<128x64xf32, #tpu.memory_space<vmem>>, vector<16xf32>,
          tpu.vector_store %arg19[%swap3A_293, %swap3A_294], %gather3A_292 {strides = array<i32>} : memref<128x64xf32, #tpu.memory_space<vmem>>, vector<16xf32>,
          %gather3A_296 = tpu.vector_load_idx %arg17[%add3A_131, %and3A_235] : memref<64x128xf32, #tpu.memory_space<vmem>>[vector<16xi32>, vector<16xi32>], vector<16xf32>,
          %swap3A_297 = arith.index_cast %and3A_237 : i32 to index
          %swap3A_298 = arith.constant 32 : index
          %swap3A_299 = tpu.vector_load %arg19[%swap3A_297, %swap3A_298] {strides = array<i32>} : memref<128x64xf32, #tpu.memory_space<vmem>>, vector<16xf32>,
          tpu.vector_store %arg19[%swap3A_297, %swap3A_298], %gather3A_296 {strides = array<i32>} : memref<128x64xf32, #tpu.memory_space<vmem>>, vector<16xf32>,
          %gather3A_300 = tpu.vector_load_idx %arg17[%add3A_134, %and3A_235] : memref<64x128xf32, #tpu.memory_space<vmem>>[vector<16xi32>, vector<16xi32>], vector<16xf32>,
          %swap3A_301 = arith.index_cast %and3A_237 : i32 to index
          %swap3A_302 = arith.constant 48 : index
          %swap3A_303 = tpu.vector_load %arg19[%swap3A_301, %swap3A_302] {strides = array<i32>} : memref<128x64xf32, #tpu.memory_space<vmem>>, vector<16xf32>,
          tpu.vector_store %arg19[%swap3A_301, %swap3A_302], %gather3A_300 {strides = array<i32>} : memref<128x64xf32, #tpu.memory_space<vmem>>, vector<16xf32>,
        } else {
        }
        %jit3A_259 = arith.constant 2 : i32
        %eq3A_260 = arith.constant 0 : i32
        %eq3A_261 = arith.cmpi eq, %jit3A_259, %eq3A_260 : i32
        %jit3A_262 = arith.constant 1 : i32
        %select_n3A_263 = arith.select %eq3A_261, %jit3A_262, %jit3A_259 : i32
        %rem3A_264 = arith.remsi %while3A_159, %select_n3A_263 : i32
        %ne3A_265 = arith.constant 0 : i32
        %ne3A_266 = arith.cmpi ne, %rem3A_264, %ne3A_265 : i32
        %lt3A_267 = arith.constant 0 : i32
        %lt3A_268 = arith.cmpi slt, %rem3A_264, %lt3A_267 : i32
        %lt3A_269 = arith.constant 0 : i32
        %lt3A_270 = arith.cmpi slt, %select_n3A_263, %lt3A_269 : i32
        %ne3A_271 = arith.xori %lt3A_268, %lt3A_270 : i1
        %and3A_272 = arith.andi %ne3A_271, %ne3A_266 : i1
        %add3A_273 = arith.addi %rem3A_264, %select_n3A_263 : i32
        %select_n3A_274 = arith.select %and3A_272, %add3A_273, %rem3A_264 : i32
        %eq3A_275 = arith.constant 1 : i32
        %eq3A_276 = arith.cmpi eq, %select_n3A_274, %eq3A_275 : i32
        %convert_element_type3A_277 = arith.extui %eq3A_276 : i1 to i32
        %cond3A_278 = arith.constant 0 : i32
        %cond3A_279 = arith.cmpi ne, %convert_element_type3A_277, %cond3A_278 : i32
        scf.if %cond3A_279 {
          %gather3A_289 = tpu.vector_load_idx %arg18[%add3A_125, %and3A_235] : memref<64x128xf32, #tpu.memory_space<vmem>>[vector<16xi32>, vector<16xi32>], vector<16xf32>,
          %swap3A = arith.index_cast %and3A_237 : i32 to index
          %swap3A_290 = arith.constant 0 : index
          %swap3A_291 = tpu.vector_load %arg19[%swap3A, %swap3A_290] {strides = array<i32>} : memref<128x64xf32, #tpu.memory_space<vmem>>, vector<16xf32>,
          tpu.vector_store %arg19[%swap3A, %swap3A_290], %gather3A_289 {strides = array<i32>} : memref<128x64xf32, #tpu.memory_space<vmem>>, vector<16xf32>,
          %gather3A_292 = tpu.vector_load_idx %arg18[%add3A_128, %and3A_235] : memref<64x128xf32, #tpu.memory_space<vmem>>[vector<16xi32>, vector<16xi32>], vector<16xf32>,
          %swap3A_293 = arith.index_cast %and3A_237 : i32 to index
          %swap3A_294 = arith.constant 16 : index
          %swap3A_295 = tpu.vector_load %arg19[%swap3A_293, %swap3A_294] {strides = array<i32>} : memref<128x64xf32, #tpu.memory_space<vmem>>, vector<16xf32>,
          tpu.vector_store %arg19[%swap3A_293, %swap3A_294], %gather3A_292 {strides = array<i32>} : memref<128x64xf32, #tpu.memory_space<vmem>>, vector<16xf32>,
          %gather3A_296 = tpu.vector_load_idx %arg18[%add3A_131, %and3A_235] : memref<64x128xf32, #tpu.memory_space<vmem>>[vector<16xi32>, vector<16xi32>], vector<16xf32>,
          %swap3A_297 = arith.index_cast %and3A_237 : i32 to index
          %swap3A_298 = arith.constant 32 : index
          %swap3A_299 = tpu.vector_load %arg19[%swap3A_297, %swap3A_298] {strides = array<i32>} : memref<128x64xf32, #tpu.memory_space<vmem>>, vector<16xf32>,
          tpu.vector_store %arg19[%swap3A_297, %swap3A_298], %gather3A_296 {strides = array<i32>} : memref<128x64xf32, #tpu.memory_space<vmem>>, vector<16xf32>,
          %gather3A_300 = tpu.vector_load_idx %arg18[%add3A_134, %and3A_235] : memref<64x128xf32, #tpu.memory_space<vmem>>[vector<16xi32>, vector<16xi32>], vector<16xf32>,
          %swap3A_301 = arith.index_cast %and3A_237 : i32 to index
          %swap3A_302 = arith.constant 48 : index
          %swap3A_303 = tpu.vector_load %arg19[%swap3A_301, %swap3A_302] {strides = array<i32>} : memref<128x64xf32, #tpu.memory_space<vmem>>, vector<16xf32>,
          tpu.vector_store %arg19[%swap3A_301, %swap3A_302], %gather3A_300 {strides = array<i32>} : memref<128x64xf32, #tpu.memory_space<vmem>>, vector<16xf32>,
        } else {
        }
        %dma_start3A_280 = arith.constant 0 : i32
        %dma_start3A_281 = tpu.memref_slice %arg19[%and3A_237, %dma_start3A_280] : memref<128x64xf32, #tpu.memory_space<vmem>> -> memref<1x64xf32, #tpu.memory_space<vmem>>
        %dma_start3A_282 = arith.constant 0 : i32
        %dma_start3A_283 = tpu.memref_slice %arg6[%squeeze3A_232, %dma_start3A_282] : memref<49152x64xf32, #tpu.memory_space<hbm>> -> memref<1x64xf32, #tpu.memory_space<hbm>>
        %dma_start3A_284 = arith.constant 0 : i32
        %dma_start3A_285 = tpu.memref_slice %arg6[%squeeze3A_232, %dma_start3A_284] : memref<49152x64xf32, #tpu.memory_space<hbm>> -> memref<1x64xf32, #tpu.memory_space<hbm>>
        %dma_start3A_286 = arith.constant 0 : i32
        %dma_start3A_287 = tpu.memref_slice %arg19[%and3A_237, %dma_start3A_286] : memref<128x64xf32, #tpu.memory_space<vmem>> -> memref<1x64xf32, #tpu.memory_space<vmem>>
        tpu.enqueue_dma source(%dma_start3A_287 : memref<1x64xf32, #tpu.memory_space<vmem>>) target(%dma_start3A_285 : memref<1x64xf32, #tpu.memory_space<hbm>>) target_semaphore(%arg22 : memref<!tpu.dma_semaphore, #tpu.memory_space<semaphore_mem>>)
        %while3A_288 = arith.constant 0 : i32
        scf.yield %while3A_288 : i32
      }
      %while3A_224 = arith.constant 0 : i32
      scf.yield %while3A_224 : i32
    }
    %while3A_147 = arith.constant 0 : i32
    %while3A_148 = arith.constant 0 : i32
    %while3A_149 = arith.subi %scan3A_67, %while3A_147 : i32
    %while3A_150 = arith.addi %while3A_147, %while3A_149 : i32
    %while3A_151 = arith.constant 1 : i32
    %while3A_152 = arith.divsi %while3A_149, %while3A_151 : i32
    %while3A_153 = arith.muli %while3A_152, %while3A_151 : i32
    %while3A_154 = arith.addi %while3A_147, %while3A_153 : i32
    %while3A_155 = arith.constant 1 : i32
    %while3A_156 = scf.for %while3A_159 = %while3A_147 to %while3A_154 step %while3A_155 iter_args(%while3A_160 = %while3A_148) -> (i32)  : i32 {
      %dma_wait3A = arith.constant 0 : i32
      %dma_wait3A_161 = tpu.memref_slice %arg2[%dma_wait3A] : memref<16384xi32, #tpu.memory_space<hbm>> -> memref<128xi32, #tpu.memory_space<hbm>>
      %dma_wait3A_162 = arith.constant 0 : i32
      %dma_wait3A_163 = tpu.memref_slice %arg2[%dma_wait3A_162] : memref<16384xi32, #tpu.memory_space<hbm>> -> memref<128xi32, #tpu.memory_space<hbm>>
      tpu.wait_dma2 semaphore(%arg22 : memref<!tpu.dma_semaphore, #tpu.memory_space<semaphore_mem>>) src(%dma_wait3A_163 : memref<128xi32, #tpu.memory_space<hbm>>) dst(%arg20 : memref<128xi32, #tpu.memory_space<vmem>>)
      %while3A_164 = arith.constant 0 : i32
      scf.yield %while3A_164 : i32
    }
    %while3A_157 = arith.constant 1 : i32
    %while3A_158 = scf.for %while3A_159 = %while3A_154 to %while3A_150 step %while3A_157 iter_args(%while3A_160 = %while3A_156) -> (i32)  : i32 {
      %dma_wait3A = arith.constant 0 : i32
      %dma_wait3A_161 = tpu.memref_slice %arg2[%dma_wait3A] : memref<16384xi32, #tpu.memory_space<hbm>> -> memref<128xi32, #tpu.memory_space<hbm>>
      %dma_wait3A_162 = arith.constant 0 : i32
      %dma_wait3A_163 = tpu.memref_slice %arg2[%dma_wait3A_162] : memref<16384xi32, #tpu.memory_space<hbm>> -> memref<128xi32, #tpu.memory_space<hbm>>
      tpu.wait_dma2 semaphore(%arg22 : memref<!tpu.dma_semaphore, #tpu.memory_space<semaphore_mem>>) src(%dma_wait3A_163 : memref<128xi32, #tpu.memory_space<hbm>>) dst(%arg20 : memref<128xi32, #tpu.memory_space<vmem>>)
      %while3A_164 = arith.constant 0 : i32
      scf.yield %while3A_164 : i32
    }
    return
  }
}

module attributes {stable_mosaic.version = 14 : i64} {
  func.func @_dots_tc(%arg0: i32, %arg1: memref<2048x64xf32, #tpu.memory_space<vmem>>, %arg2: memref<2048x64xf32, #tpu.memory_space<vmem>>, %arg3: memref<2048x64xf32, #tpu.memory_space<vmem>>, %arg4: memref<2048xf32, #tpu.memory_space<vmem>>, %arg5: memref<2048xf32, #tpu.memory_space<vmem>>) attributes {dimension_semantics = [#tpu.dimension_semantics<arbitrary>], iteration_bounds = array<i64: 8>, scalar_prefetch = 0 : i64, scratch_operands = 0 : i64, tpu.core_type = #tpu.core_type<tc>, window_params = [{transform_indices = @transform_0, window_bounds = array<i64: 2048, 64>}, {transform_indices = @transform_1, window_bounds = array<i64: 2048, 64>}, {transform_indices = @transform_2, window_bounds = array<i64: 2048, 64>}, {transform_indices = @transform_3, window_bounds = array<i64: 2048>}, {transform_indices = @transform_4, window_bounds = array<i64: 2048>}]} {
    %get3A = arith.constant 0 : index
    %get3A_0 = arith.constant 0 : index
    %get3A_1 = vector.load %arg1[%get3A, %get3A_0] : memref<2048x64xf32, #tpu.memory_space<vmem>>, vector<2048x64xf32>
    %get3A_2 = arith.constant 0 : index
    %get3A_3 = arith.constant 0 : index
    %get3A_4 = vector.load %arg2[%get3A_2, %get3A_3] : memref<2048x64xf32, #tpu.memory_space<vmem>>, vector<2048x64xf32>
    %mul3A = arith.mulf %get3A_1, %get3A_4 : vector<2048x64xf32>
    %reduce_sum3A = arith.constant dense<0.000000e+00> : vector<2048xf32>
    %reduce_sum3A_5 = vector.multi_reduction <add>, %mul3A, %reduce_sum3A [1] : vector<2048x64xf32> to vector<2048xf32>
    %swap3A = arith.constant 0 : index
    %swap3A_6 = vector.load %arg4[%swap3A] : memref<2048xf32, #tpu.memory_space<vmem>>, vector<2048xf32>
    tpu.vector_store %arg4[%swap3A], %reduce_sum3A_5 {strides = array<i32>} : memref<2048xf32, #tpu.memory_space<vmem>>, vector<2048xf32>,
    %get3A_7 = arith.constant 0 : index
    %get3A_8 = arith.constant 0 : index
    %get3A_9 = vector.load %arg3[%get3A_7, %get3A_8] : memref<2048x64xf32, #tpu.memory_space<vmem>>, vector<2048x64xf32>
    %mul3A_10 = arith.mulf %get3A_1, %get3A_9 : vector<2048x64xf32>
    %reduce_sum3A_11 = arith.constant dense<0.000000e+00> : vector<2048xf32>
    %reduce_sum3A_12 = vector.multi_reduction <add>, %mul3A_10, %reduce_sum3A_11 [1] : vector<2048x64xf32> to vector<2048xf32>
    %swap3A_13 = arith.constant 0 : index
    %swap3A_14 = vector.load %arg5[%swap3A_13] : memref<2048xf32, #tpu.memory_space<vmem>>, vector<2048xf32>
    tpu.vector_store %arg5[%swap3A_13], %reduce_sum3A_12 {strides = array<i32>} : memref<2048xf32, #tpu.memory_space<vmem>>, vector<2048xf32>,
    return
  }
  func.func @transform_0(%arg0: i32) -> (i32, i32) {
    %c0_i32 = arith.constant 0 : i32
    %c0_i32_0 = arith.constant 0 : i32
    return %arg0, %c0_i32 : i32, i32
  }
  func.func @transform_1(%arg0: i32) -> (i32, i32) {
    %add3A = arith.constant 8 : i32
    %add3A_0 = arith.addi %add3A, %arg0 : i32
    %c0_i32 = arith.constant 0 : i32
    %c0_i32_1 = arith.constant 0 : i32
    return %add3A_0, %c0_i32 : i32, i32
  }
  func.func @transform_2(%arg0: i32) -> (i32, i32) {
    %add3A = arith.constant 16 : i32
    %add3A_0 = arith.addi %add3A, %arg0 : i32
    %c0_i32 = arith.constant 0 : i32
    %c0_i32_1 = arith.constant 0 : i32
    return %add3A_0, %c0_i32 : i32, i32
  }
  func.func @transform_3(%arg0: i32) -> i32 {
    %c0_i32 = arith.constant 0 : i32
    return %arg0 : i32
  }
  func.func @transform_4(%arg0: i32) -> i32 {
    %c0_i32 = arith.constant 0 : i32
    return %arg0 : i32
  }
}

</mosaic_0001>

<sc_bundles>
// kernel: kernel.4.cloned.1.call-start
scs
__scs_entry_jumppad:
0x0: {  	(pc) =	sbr.rel $0x88, $3  }
0x1: {  	(tag) =	ssettag $0x0;
	lr =	simm.s32 $0x1  }
0x2: {  	[smem:$0x3F9D] =	sst lr;
	_ =	strace $0xD0000000  }
0x3: {  	_ = 	snop  }
0x4: {  	_ = 	snop  }
0x5: {  	_ = 	snop  }
0x6: {  	_ = 	snop  }
0x7: {  	_ = 	snop  }
__scs_overlays_trampoline_lowered:
0x8: {  	[smem:$0x3FAC] =	sst s0  }
0x9: {  	[smem:$0x3FAD] =	sst s1  }
0xa: {  	[smem:$0x3FAE] =	sst s2  }
0xb: {  	[smem:$0x3FAF] =	sst s3  }
0xc: {  	[smem:$0x3FB0] =	sst s4  }
0xd: {  	[smem:$0x3FB1] =	sst s5  }
0xe: {  	[smem:$0x3FB2] =	sst s6  }
0xf: {  	[smem:$0x3FB3] =	sst s7  }
0x10: {  	[smem:$0x3FB4] =	sst s8  }
0x11: {  	[smem:$0x3FB5] =	sst s9;
	s0 =	simm.s32 @!p0 $0x0  }
0x12: {  	s1 =	sld [smem:$0x3F9B];
	s0 =	simm.s32 @p0 $0x1  }
0x13: {  	[smem:$0x3FB6] =	sst s0;
	s0 =	simm.s32 @!p1 $0x0  }
0x14: {  	s2 =	sld [smem:$0x3F9A];
	s0 =	simm.s32 @p1 $0x1  }
0x15: {  	[smem:$0x3FB7] =	sst s0;
	s0 =	simm.s32 @!p2 $0x0  }
0x16: {  	s3 =	sld [smem:$0x3FDB];
	s0 =	simm.s32 @p2 $0x1  }
0x17: {  	s4 =	simm.s32 $0x1BF5;
	[smem:$0x3FB9] =	sst s0  }
0x18: {  	s0 =	sld [smem:$0x3F9C];
	_ =	swait.ge [sflag:s4], $0x0  }
0x19: {  	s7 =	sld [smem:$0x3F9D]  }
0x1a: {  	s8 =	sadd.s32 $0xFFFFE003, lr  }
0x1b: {  	s9 =	sadd.s32 $0xFFFFFEF7, lr;
	s5 =	simm.s32 $0xFFFFFFFF;
	p2 =	slt.u32 s8, $0xFFFFF086  }
0x1c: {  	p1 =	slt.u32 s9, $0xF7A;
	s5 =	simm.s32 @!p2 $0x0  }
0x1d: {  	s5 =	simm.s32 @p1 $0x1;
	p0 =	seq.s32 s7, s2  }
0x1e: {  	s7 =	smul.u32 @!p0 $0xF7A, s2;
	p2 =	seq.s32 @!p0 s5, $0x0  }
0x1f: {  	s9 =	smul.u32 $0xF7A, s1;
	s8 =	simm.s32 @!p0 $0x1BF5;
	p2 =	por !p2, p0  }
0x20: {  	[sflag:s8] =	ssyncset.s32 @!p0 $0xFFFFF086;
	s6 =	sadd.s32 @!p0 s3, s7;
	s7 =	simm.s32 @!p0 $0x108  }
0x21: {  	s3 =	sadd.s32 s3, s9;
	s6 =	sadd.s32 @!p0 $0x88, s6;
	s7 =	simm.s32 @p2 $0x1082  }
0x22: {  	[simem:s7], [sflag:s8] =	dma.local @!p0 [hbm:s6], $0xF7A  }
0x23: {  	s9 =	sor.u32 $0xD0000000, s2;
	s6 =	simm.s32 $0x108;
	_ =	swait.ge @!p0 [sflag:s8], $0x0  }
0x24: {  	s3 =	sadd.s32 $0x88, s3;
	s6 =	simm.s32 @!p1 $0x1082;
	[sflag:s4] =	ssyncset.s32 $0xFFFFF086  }
0x25: {  	[simem:s6], [sflag:s4] =	dma.local [hbm:s3], $0xF7A  }
0x26: {  	[smem:$0x3F9D] =	sst s1;
	(tag) =	ssettag s2;
	_ =	strace s9  }
0x27: {  	s1 =	sld [smem:$0x3FAD]  }
0x28: {  	s2 =	sld [smem:$0x3FAE]  }
0x29: {  	s4 =	sld [smem:$0x3FB0]  }
0x2a: {  	p0 =	seq.s32 s5, $0x0;
	s5 =	sld [smem:$0x3FB1]  }
0x2b: {  	s6 =	sld [smem:$0x3FB2]  }
0x2c: {  	s7 =	sld [smem:$0x3FB3]  }
0x2d: {  	s3 =	simm.s32 $0x108;
	s8 =	sld [smem:$0x3FB4]  }
0x2e: {  	s3 =	simm.s32 @!p0 $0x1082;
	s9 =	sld [smem:$0x3FB5]  }
0x2f: {  	lr =	sadd.s32 s0, s3;
	s0 =	sld [smem:$0x3FAC]  }
0x30: {  	s3 =	sld [smem:$0x3FAF]  }
0x31: {  	[smem:$0x3FB8] =	sst s10  }
0x32: {  	s10 =	sld [smem:$0x3FB6];
	_ =	sdelay $0x3  }
0x33: {  	p0 =	seq.s32 s10, $0x1;
	s10 =	sld [smem:$0x3FB8];
	_ =	sdelay $0x3  }
0x34: {  	[smem:$0x3FB8] =	sst s10  }
0x35: {  	s10 =	sld [smem:$0x3FB7];
	_ =	sdelay $0x3  }
0x36: {  	p1 =	seq.s32 s10, $0x1;
	s10 =	sld [smem:$0x3FB8];
	_ =	sdelay $0x3  }
0x37: {  	[smem:$0x3FB8] =	sst s10  }
0x38: {  	s10 =	sld [smem:$0x3FB9]  }
0x39: {  	_ = 	snop;
	(pc) =	sbr.ind lr, $3  }
0x3a: {  	_ = 	snop  }
0x3b: {  	_ = 	snop  }
0x3c: {  	p2 =	seq.s32 s10, $0x1;
	s10 =	sld [smem:$0x3FB8]  }
0x3d: {  	_ =	shalt  }
0x3e: {  	_ =	shalt  }
0x3f: {  	_ =	shalt  }
0x40: {  	_ =	shalt  }
0x41: {  	_ =	shalt  }
0x42: {  	_ =	shalt  }
0x43: {  	_ =	shalt  }
0x44: {  	_ =	shalt  }
0x45: {  	_ =	shalt  }
0x46: {  	_ =	shalt  }
0x47: {  	_ =	shalt  }
0x48: {  	_ =	shalt  }
0x49: {  	_ =	shalt  }
0x4a: {  	_ =	shalt  }
0x4b: {  	_ =	shalt  }
0x4c: {  	_ =	shalt  }
0x4d: {  	_ =	shalt  }
0x4e: {  	_ =	shalt  }
0x4f: {  	_ =	shalt  }
0x50: {  	_ =	shalt  }
0x51: {  	_ =	shalt  }
0x52: {  	_ =	shalt  }
0x53: {  	_ =	shalt  }
0x54: {  	_ =	shalt  }
0x55: {  	_ =	shalt  }
0x56: {  	_ =	shalt  }
0x57: {  	_ =	shalt  }
0x58: {  	_ =	shalt  }
0x59: {  	_ =	shalt  }
0x5a: {  	_ =	shalt  }
0x5b: {  	_ =	shalt  }
0x5c: {  	_ =	shalt  }
0x5d: {  	_ =	shalt  }
0x5e: {  	_ =	shalt  }
0x5f: {  	_ =	shalt  }
0x60: {  	_ =	shalt  }
0x61: {  	_ =	shalt  }
0x62: {  	_ =	shalt  }
0x63: {  	_ =	shalt  }
0x64: {  	_ =	shalt  }
0x65: {  	_ =	shalt  }
0x66: {  	_ =	shalt  }
0x67: {  	_ =	shalt  }
0x68: {  	_ =	shalt  }
0x69: {  	_ =	shalt  }
0x6a: {  	_ =	shalt  }
0x6b: {  	_ =	shalt  }
0x6c: {  	_ =	shalt  }
0x6d: {  	_ =	shalt  }
0x6e: {  	_ =	shalt  }
0x6f: {  	_ =	shalt  }
0x70: {  	_ =	shalt  }
0x71: {  	_ =	shalt  }
0x72: {  	_ =	shalt  }
0x73: {  	_ =	shalt  }
0x74: {  	_ =	shalt  }
0x75: {  	_ =	shalt  }
0x76: {  	_ =	shalt  }
0x77: {  	_ =	shalt  }
0x78: {  	_ =	shalt  }
0x79: {  	_ =	shalt  }
0x7a: {  	_ =	shalt  }
0x7b: {  	_ =	shalt  }
0x7c: {  	_ =	shalt  }
0x7d: {  	_ =	shalt  }
0x7e: {  	_ =	shalt  }
0x7f: {  	_ =	shalt  }
0x80: {  	_ =	shalt  }
0x81: {  	_ =	shalt  }
0x82: {  	_ =	shalt  }
0x83: {  	_ =	shalt  }
0x84: {  	_ =	shalt  }
0x85: {  	_ =	shalt  }
0x86: {  	_ =	shalt  }
0x87: {  	_ =	shalt  }
.Lfunc_end0:
.L_simem_size_0:
called_computation_lowered:
.L_overlay_start_0:
0x88: {  	s2 =	sld [smem:$0x3FD9]  }
0x89: {  	s3 =	sld [smem:$0x3FFE];
	_ =	sdelay $0x1  }
0x8a: {  	s1 =	srdreg.scid  }
0x8b: {  	s0 =	sand.u32 $0x1, s1  }
0x8c: {  	s17 =	sshll.u32 s0, $0xA;
	s2 =	sadd.s32 s3, s2  }
0x8d: {  	s2 =	sadd.s32 s2, s17  }
0x8e: {  	[smem:$0x3FC4] =	sst s2  }
0x8f: {  	_ = 	snop  }
0x90: {  	s2 =	sld [smem:$0x3FC9]  }
0x91: {  	s18 =	sld [smem:$0x3FC8]  }
0x92: {  	s4 =	sld [smem:$0x3FC7]  }
0x93: {  	s5 =	sld [smem:$0x3FC6];
	(tm) =	ssettm $0x1  }
0x94: {  	s6 =	sld [smem:$0x3FFB];
	_ =	sdelay $0x3  }
0x95: {  	_ =	strace s6  }
0x96: {  	s6 =	sld [smem:$0x3FFC];
	_ =	sdelay $0x3  }
0x97: {  	_ =	strace s6  }
0x98: {  	s6 =	sld [smem:$0x3FFD];
	_ =	sdelay $0x3  }
0x99: {  	_ =	strace s6  }
0x9a: {  	_ =	strace $0x8FFFFFFF  }
0x9b: {  	s19 =	sld [smem:$0x3FDB];
	_ =	sdelay $0x1  }
0x9c: {  	s7 =	simm.s32 $_scs_section_size  }
0x9d: {  	s8 =	simm.s32 $_size__tile_overlayer_lowered;
	s9 =	simm.s32 $_tile_overlayer_lowered  }
0x9e: {  	s22 =	simm.s32 $0x1BFF;
	s21 =	sshll.u32 s9, $0x1;
	s6 =	sadd.s32 s7, s19  }
0x9f: {  	s10 =	simm.s32 $0x0;
	s20 =	sshll.u32 s8, $0x1;
	s8 =	sadd.s32 s21, s6  }
0xa0: {  	[timem:s10], [sflag:s22] =	dma.local [hbm:s8], s20  }
0xa1: {  	_ =	swait.ge [sflag:s22], s20  }
0xa2: {  	s7 =	ssub.s32 $0x0, s20;
	[sflag:s22] =	ssyncset.done $0x0  }
0xa3: {  	[sflag:s22] =	ssyncadd.s32 s7;
	_ =	sdelay $0x1  }
0xa4: {  	s23 =	simm.s32 $0x1B8B  }
0xa5: {  	_ =	swait.ge [sflag:s23], $0x1  }
0xa6: {  	[sflag:s23] =	ssyncset.done $0x0  }
0xa7: {  	s25 =	simm.s32 $0x1B8E;
	s24 =	sld [smem:$0x3FFE];
	[sflag:s23] =	ssyncadd.s32 $0xFFFFFFFF  }
0xa8: {  	s26 =	simm.s32 $execute0_lowered;
	[smem:$0x3FD2] =	sst s25  }
0xa9: {  	s8 =	sshll.u32 s26, $0x1;
	_ =	strace $0x80000046;
	[dreg:$0x1] =	wrdreg $0xFFFFFFFF  }
0xaa: {  	s28 =	simm.s32 $_size_execute0_lowered;
	s6 =	sadd.s32 s6, s8;
	[dreg:$0x0] =	wrdreg $0x0  }
0xab: {  	s8 =	sshll.u32 s28, $0x1;
	[dreg:$0x2] =	wrdreg s6  }
0xac: {  	[dreg:$0x3] =	wrdreg s8  }
0xad: {  	[dreg:$0x4] =	wrdreg $0xC0  }
0xae: {  	_ =	task [dreg:s10], $0x5FFFF  }
0xaf: {  	[dreg:$0x1] =	wrdreg $0xFFFFFFFF  }
0xb0: {  	[dreg:$0x0] =	wrdreg $0x60  }
0xb1: {  	[dreg:$0x2] =	wrdreg s2  }
0xb2: {  	[dreg:$0x3] =	wrdreg s18  }
0xb3: {  	[dreg:$0x4] =	wrdreg s4  }
0xb4: {  	[dreg:$0x5] =	wrdreg s5  }
0xb5: {  	[dreg:$0x6] =	wrdreg s24  }
0xb6: {  	[dreg:$0x7] =	wrdreg $0x9  }
0xb7: {  	_ =	task.clear_ibuf [dreg:s10], $0x8FFFF;
	_ =	strace $0x90000046  }
0xb8: {  	s29 =	simm.s32 $0x9;
	_ =	strace $0x80000048  }
0xb9: {  	_ =	swait.ge [sflag:s29], $0x1  }
0xba: {  	[sflag:s29] =	ssyncadd.s32 $0xFFFFFFFF  }
0xbb: {  	_ =	strace $0x90000048  }
0xbc: {  	_ =	sfence  }
0xbd: {  	s30 =	sld [smem:$0x0];
	_ =	sdelay $0x2  }
0xbe: {  	s31 =	sshll.u32 s1, $0xD;
	s1 =	sshrl.u32 s1, $0x2  }
0xbf: {  	s3 =	sand.u32 $0x4000, s31;
	s1 =	sadd.s32 s1, s30  }
0xc0: {  	s0 =	sor.u32 s3, s0;
	s1 =	sshll.u32 s1, $0x11  }
0xc1: {  	s0 =	sor.u32 s1, s0  }
0xc2: {  	s0 =	sadd.s32 $0x8F2B, s0  }
0xc3: {  	[sflag:s0] =	ssyncadd.remote.s32 $0x1  }
0xc4: {  	_ =	sfence.sel $0xFFFF  }
0xc5: {  	[dreg:$0x0] =	wrdreg $0xFFFFFFFF;
	(pc) =	sbr.abs _section_cstart, $3  }
0xc6: {  	[dreg:$0x1] =	wrdreg $0xFFFFFFFF  }
0xc7: {  	_ =	task.clear_ibuf [dreg:s10], $0x2FFFF;
	_ =	strace $0x9FFFFFFF  }
0xc8: {  	(tm) =	ssettm $0x7FFFFFFF  }
0xc9: {  	_ =	shalt  }
tec
execute0_lowered:
.L_overlay_start_1:
0x0: {  	(tag) =	ssettag $0x1  }
0x1: {  	s5 =	rddreg [dreg:$0x3]  }
0x2: {  	s0 =	srdreg.scid;
	s2 =	stileid.u32  }
0x3: {  	s1 =	rddreg [dreg:$0x4];
	s6 =	simm.s32 $0x0;
	s12 =	simm.s32 $0x3  }
0x4: {  	s15 =	simm.s32 $0xC000;
	s16 =	simm.s32 $0x10000;
	s17 =	simm.s32 $0xD000  }
0x5: {  	s18 =	simm.s32 $0x10280;
	s19 =	simm.s32 $0xE000;
	s20 =	simm.s32 $0xF000  }
0x6: {  	s21 =	simm.s32 $0x400;
	s22 =	simm.s32 $0x7A1400;
	s24 =	simm.s32 $0x1  }
0x7: {  	s25 =	simm.s32 $0x12380;
	s0 =	sand.u32 $0x1, s0;
	s2 =	sshll.u32 s2, $0x1  }
0x8: {  	s26 =	simm.s32 $0x10100;
	s28 =	simm.s32 $0x2;
	s2 =	sor.u32 s0, s2  }
0x9: {  	s29 =	simm.s32 $0x0;
	[smem:$0x7FF] =	sst s6;
	s2 =	smul.u32 $0x1E85, s2  }
.Ltmp0:
0xa: {  	v1 =	vlaneseq.u32;
	s7 =	sadd.s32 $0x400, s1;
	s0 =	ssub.s32 $0x2, s0;
	(pc) =	sbr.rel .LBB2_1-.Ltmp0, $4  }
0xb: {  	v2 =	vimm.s32 $0x0;
	vm0 =	vcmask $0x300;
	v3 =	vmul.u32 $0x80, v1;
	_ =	strace $0x80000047;
	s3 =	sshrl.u32 s0, $0x1;
	s30 =	sadd.s32 $0x1E85, s2  }
0xc: {  	v6 =	vsel vm0, $0x1, v2;
	s0 =	ssub.s32 s0, s3;
	s8 =	sshrl.u32 s2, $0x5;
	s1 =	sshrl.u32 s30, $0x5  }
0xd: {  	v7 =	vor.u32 $0x800, v3;
	v8 =	vor.u32 $0x1000, v3;
	v9 =	vor.u32 $0x1800, v3;
	s2 =	sshll.u32 s8, $0x7;
	s31 =	sshll.u32 s1, $0x7;
	s9 =	ssub.s32 s1, s8  }
0xe: {  	s11 =	smax.u32 s0, $0x1;
	v5 =	vmov s8;
	s10 =	sadd.s32 s5, s2;
	v0 =	vmov s2;
	p0 =	sgt.s32 s9, $0x0;
	v4 =	vmov s31  }
.LBB2_26:
0xf: {  	[sflag:s28] =	ssyncadd.s32 $0xFFFFFF80  }
.LBB2_27:
0x10: {  	s29 =	sadd.s32 $0x1, s29  }
0x11: {  	p1 =	sne.s32 s29, s11  }
.Ltmp1:
0x12: {  	_ = 	snop;
	(pc) =	sbr.rel @!p1 .LBB2_28-.Ltmp1, $1  }
0x13: {  	_ =	sdelay $0x3  }
.LBB2_1:
0x14: {  	s0 =	rddreg [dreg:$0x0]  }
0x15: {  	[tilespmem:s6], [sflag:$0x3] =	stream.linear.gather [hbm4b:s0+s6], $0x4000, $0x38;
	[tilespmem:$0x18380] =	vst v63  }
0x16: {  	_ =	swait.ge [sflag:s12], $0x4000  }
0x17: {  	[sflag:s12] =	ssyncset.done $0x0  }
0x18: {  	[sflag:s12] =	ssyncadd.s32 $0xFFFFC000  }
0x19: {  	s1 =	simm.s32 $0x4000;
	s23 =	rddreg [dreg:$0x1]  }
0x1a: {  	[tilespmem:s1], [sflag:$0x3] =	stream.linear.gather [hbm4b:s23+s6], $0x4000, $0x38;
	[tilespmem:$0x18380] =	vst v63  }
0x1b: {  	_ =	swait.ge [sflag:s12], $0x4000  }
0x1c: {  	[sflag:s12] =	ssyncset.done $0x0  }
0x1d: {  	[sflag:s12] =	ssyncadd.s32 $0xFFFFC000  }
0x1e: {  	s31 =	simm.s32 $0x8000;
	s30 =	rddreg [dreg:$0x2]  }
0x1f: {  	[tilespmem:s31], [sflag:$0x3] =	stream.linear.gather [hbm4b:s30+s6], $0x4000, $0x38;
	[tilespmem:$0x18380] =	vst v63  }
0x20: {  	_ =	swait.ge [sflag:s12], $0x4000  }
0x21: {  	[sflag:s12] =	ssyncset.done $0x0  }
0x22: {  	[sflag:s12] =	ssyncadd.s32 $0xFFFFC000  }
0x23: {  	v10 =	vld [tilespmem:s6+$0x0];
	_ =	sdelay $0x4  }
0x24: {  	vm0 =	vge.s32 v10, v0;
	vm1 =	vlt.s32 v10, v4  }
0x25: {  	vm0 =	vmand vm0, vm1  }
0x26: {  	v11 =	vmpcnt.ones.xlane vm0;
	_ =	sdelay $0x1  }
0x27: {  	(v2sf) =	vpush v11, $0x0;
	_ =	sdelay $0x4  }
0x28: {  	[tilespmem:s6+$0xC000] =	vst.msk vm0, v10;
	v10 =	vor.u32 s6, v1  }
0x29: {  	s0 =	simm.s32 $0x10;
	[tilespmem:s6+$0xD000] =	vst.msk vm0, v10  }
0x2a: {  	s2 =	simm.s32 $0x20;
	s4 =	simm.s32 $0x10;
	s1 =	simm.s32 $0x0;
	v10 =	vld [tilespmem:s0+$0x0]  }
.LBB2_2:
0x2b: {  	p1 =	sne.s32 s2, $0x3FF0;
	_ =	sdelay $0x3  }
0x2c: {  	vm0 =	vge.s32 v10, v0;
	vm1 =	vlt.s32 v10, v4  }
0x2d: {  	vm0 =	vmand vm0, vm1  }
0x2e: {  	v11 =	vmpcnt.ones.xlane vm0  }
0x2f: {  	s3 =	spop (v2sf)  }
0x30: {  	(v2sf) =	vpush v11, $0x0;
	s1 =	sadd.s32 s1, s3  }
0x31: {  	[tilespmem:s1+$0xC000] =	vst.msk vm0, v10;
	v10 =	vor.u32 s0, v1;
	s0 =	smov.u32 s2  }
0x32: {  	[tilespmem:s1+$0xD000] =	vst.msk vm0, v10  }
.Ltmp2:
0x33: {  	(pc) =	sbr.rel @p1 .LBB2_2-.Ltmp2, $3  }
0x34: {  	_ =	sdelay $0x1  }
0x35: {  	s4 =	sadd.s32 $0x10, s4  }
0x36: {  	s2 =	sadd.s32 $0x10, s2;
	v10 =	vld [tilespmem:s4+$0x0]  }
0x37: {  	_ =	sdelay $0x3  }
0x38: {  	vm0 =	vge.s32 v10, v0;
	vm1 =	vlt.s32 v10, v4  }
0x39: {  	vm0 =	vmand vm0, vm1  }
0x3a: {  	v11 =	vmpcnt.ones.xlane vm0;
	_ =	sdelay $0x1  }
0x3b: {  	(v2sf) =	vpush v11, $0x0;
	_ =	sdelay $0xa  }
0x3c: {  	p2 =	por $0x0, $0x0  }
.Ltmp3:
0x3d: {  	s2 =	spop (v2sf);
	(pc) =	sbr.rel @p2 .LBB2_4-.Ltmp3, $4  }
0x3e: {  	s1 =	sadd.s32 s1, s2  }
0x3f: {  	[tilespmem:s1+$0xC000] =	vst.msk vm0, v10;
	v10 =	vor.u32 s0, v1  }
0x40: {  	s3 =	simm.s32 $0x4000;
	[tilespmem:s1+$0xD000] =	vst.msk vm0, v10;
	s31 =	spop (v2sf)  }
0x41: {  	p1 =	por $0x0, $0x0;
	v10 =	vld [tilespmem:s3+$0x0];
	s0 =	sadd.s32 s1, s31;
	s1 =	simm.s32 $0x4010  }
0x42: {  	_ =	sdelay $0x3  }
0x43: {  	vm0 =	vge.s32 v10, v0;
	vm1 =	vlt.s32 v10, v4  }
0x44: {  	vm0 =	vmand vm0, vm1  }
0x45: {  	v11 =	vmpcnt.ones.xlane vm0;
	_ =	sdelay $0x1  }
0x46: {  	(v2sf) =	vpush v11, $0x0;
	_ =	sdelay $0x1  }
0x47: {  	p2 =	por $0x0, $0x0  }
.Ltmp4:
0x48: {  	_ = 	snop;
	(pc) =	sbr.rel @p2 .LBB2_6-.Ltmp4, $4  }
0x49: {  	_ = 	snop  }
0x4a: {  	[tilespmem:s0+$0xC000] =	vst.msk vm0, v10;
	v10 =	vor.u32 s3, v1  }
0x4b: {  	s4 =	simm.s32 $0x4020;
	[tilespmem:s0+$0xD000] =	vst.msk vm0, v10  }
0x4c: {  	p1 =	por $0x1, $0x1;
	s2 =	smov.u32 s0;
	s30 =	simm.s32 $0x4010;
	v10 =	vld [tilespmem:s1+$0x0]  }
.LBB2_7:
0x4d: {  	p2 =	seq.s32 s4, $0x7FF0;
	_ =	sdelay $0x3  }
0x4e: {  	vm0 =	vge.s32 v10, v0;
	vm1 =	vlt.s32 v10, v4  }
0x4f: {  	vm0 =	vmand vm0, vm1  }
0x50: {  	v11 =	vmpcnt.ones.xlane vm0  }
0x51: {  	s3 =	spop (v2sf)  }
0x52: {  	(v2sf) =	vpush v11, $0x0;
	s2 =	sadd.s32 s2, s3  }
0x53: {  	[tilespmem:s2+$0xC000] =	vst.msk vm0, v10;
	v10 =	vor.u32 s1, v1;
	s1 =	smov.u32 s4  }
0x54: {  	[tilespmem:s2+$0xD000] =	vst.msk vm0, v10  }
.Ltmp5:
0x55: {  	(pc) =	sbr.rel @!p2 .LBB2_7-.Ltmp5, $3  }
0x56: {  	_ =	sdelay $0x1  }
0x57: {  	s30 =	sadd.s32 $0x10, s30  }
0x58: {  	s4 =	sadd.s32 $0x10, s4;
	v10 =	vld [tilespmem:s30+$0x0]  }
0x59: {  	s3 =	smov.u32 s1  }
.LBB2_9:
0x5a: {  	_ =	sdelay $0x3  }
0x5b: {  	vm0 =	vge.s32 v10, v0;
	vm1 =	vlt.s32 v10, v4  }
0x5c: {  	vm0 =	vmand vm0, vm1  }
0x5d: {  	v11 =	vmpcnt.ones.xlane vm0;
	s1 =	spop @p1 (v2sf)  }
0x5e: {  	s1 =	sadd.s32 @p1 s2, s1  }
0x5f: {  	(v2sf) =	vpush v11, $0x0;
	s0 =	smov.u32 @p1 s1  }
0x60: {  	[tilespmem:s0+$0xC000] =	vst.msk vm0, v10;
	v10 =	vor.u32 s3, v1  }
0x61: {  	s31 =	simm.s32 $0x8000;
	[tilespmem:s0+$0xD000] =	vst.msk vm0, v10  }
0x62: {  	v10 =	vld [tilespmem:s31+$0x0];
	_ =	sdelay $0x4  }
0x63: {  	vm14 =	vge.s32 v10, v0;
	vm15 =	vlt.s32 v10, v4  }
0x64: {  	vm0 =	vmand vm14, vm15  }
0x65: {  	v11 =	vmpcnt.ones.xlane vm0;
	_ =	sdelay $0x1  }
0x66: {  	(v2sf) =	vpush v11, $0x0;
	_ =	sdelay $0x2  }
0x67: {  	s30 =	spop (v2sf)  }
0x68: {  	s0 =	sadd.s32 s0, s30  }
0x69: {  	[tilespmem:s0+$0xC000] =	vst.msk vm0, v10;
	v10 =	vor.u32 s31, v1  }
0x6a: {  	s1 =	simm.s32 $0x8010;
	[tilespmem:s0+$0xD000] =	vst.msk vm0, v10  }
0x6b: {  	s4 =	simm.s32 $0x8010;
	s2 =	simm.s32 $0x8020;
	v10 =	vld [tilespmem:s1+$0x0]  }
.LBB2_10:
0x6c: {  	p1 =	seq.s32 s2, $0xBFF0;
	_ =	sdelay $0x3  }
0x6d: {  	vm0 =	vge.s32 v10, v0;
	vm1 =	vlt.s32 v10, v4  }
0x6e: {  	vm0 =	vmand vm0, vm1  }
0x6f: {  	v11 =	vmpcnt.ones.xlane vm0  }
0x70: {  	s3 =	spop (v2sf)  }
0x71: {  	(v2sf) =	vpush v11, $0x0;
	s0 =	sadd.s32 s0, s3  }
0x72: {  	[tilespmem:s0+$0xC000] =	vst.msk vm0, v10;
	v10 =	vor.u32 s1, v1;
	s1 =	smov.u32 s2  }
0x73: {  	[tilespmem:s0+$0xD000] =	vst.msk vm0, v10  }
.Ltmp6:
0x74: {  	(pc) =	sbr.rel @!p1 .LBB2_10-.Ltmp6, $3  }
0x75: {  	_ =	sdelay $0x1  }
0x76: {  	s4 =	sadd.s32 $0x10, s4  }
0x77: {  	s2 =	sadd.s32 $0x10, s2;
	v10 =	vld [tilespmem:s4+$0x0]  }
0x78: {  	_ =	sdelay $0x3  }
0x79: {  	vm0 =	vge.s32 v10, v0;
	vm1 =	vlt.s32 v10, v4  }
0x7a: {  	vm0 =	vmand vm0, vm1  }
0x7b: {  	v11 =	vmpcnt.ones.xlane vm0;
	_ =	sdelay $0x1  }
0x7c: {  	(v2sf) =	vpush v11, $0x0;
	_ =	sdelay $0x2  }
0x7d: {  	s2 =	spop (v2sf)  }
0x7e: {  	s0 =	sadd.s32 s0, s2  }
0x7f: {  	[tilespmem:s0+$0xC000] =	vst.msk vm0, v10;
	v10 =	vor.u32 s1, v1  }
0x80: {  	[tilespmem:s0+$0xD000] =	vst.msk vm0, v10  }
0x81: {  	[tilespmem:$0x10000] =	vst v2  }
0x82: {  	[tilespmem:$0x10010] =	vst v2  }
0x83: {  	[tilespmem:$0x10020] =	vst v2  }
0x84: {  	[tilespmem:$0x10030] =	vst v2  }
0x85: {  	[tilespmem:$0x10040] =	vst v2  }
0x86: {  	[tilespmem:$0x10050] =	vst v2  }
0x87: {  	[tilespmem:$0x10060] =	vst v2  }
0x88: {  	[tilespmem:$0x10070] =	vst v2  }
0x89: {  	[tilespmem:$0x10080] =	vst v2;
	s31 =	spop (v2sf)  }
0x8a: {  	[tilespmem:$0x10090] =	vst v2;
	s2 =	sadd.s32 s0, s31  }
0x8b: {  	[tilespmem:$0x100A0] =	vst v2;
	p1 =	slt.s32 s2, $0x1  }
.Ltmp7:
0x8c: {  	[tilespmem:$0x100B0] =	vst v2;
	(pc) =	sbr.rel @p1 .LBB2_15-.Ltmp7, $4  }
0x8d: {  	[tilespmem:$0x100C0] =	vst v2  }
0x8e: {  	[tilespmem:$0x100D0] =	vst v2  }
0x8f: {  	[tilespmem:$0x100E0] =	vst v2  }
0x90: {  	[tilespmem:$0x100F0] =	vst v2;
	s30 =	sadd.s32 s0, s31  }
0x91: {  	s0 =	simm.s32 $0x0  }
0x92: {  	v10 =	vmov s0;
	_ =	sdelay $0x4  }
0x93: {  	v10 =	vld.idx.msk [tilespmem:v10+s15+$0x0], $0xffff;
	_ =	sdelay $0x1  }
0x94: {  	p2 =	seq.s32 s30, $0x1  }
.Ltmp8:
0x95: {  	_ = 	snop;
	(pc) =	sbr.rel @p2 .LBB2_14-.Ltmp8, $4  }
0x96: {  	_ = 	snop  }
0x97: {  	v10 =	vshrl.u32 v10, $0x7  }
0x98: {  	v10 =	vsub.s32 v10, v5  }
0x99: {  	s0 =	simm.s32 $0x1;
	v10 =	vand.u32 $0xFF, v10  }
.LBB2_13:
0x9a: {  	v11 =	vmov s0;
	s0 =	sadd.s32 $0x1, s0  }
0x9b: {  	p2 =	seq.s32 s30, s0;
	_ =	sdelay $0x2  }
0x9c: {  	[tilespmem:v10+s16+$0x0] =	vst.idx.add.s32.msk $0x1, v6  }
0x9d: {  	v10 =	vld.idx.msk [tilespmem:v11+s15+$0x0], $0xffff;
	_ =	sdelay $0x3  }
.Ltmp9:
0x9e: {  	(pc) =	sbr.rel @!p2 .LBB2_13-.Ltmp9, $4  }
0x9f: {  	_ = 	snop  }
0xa0: {  	v10 =	vshrl.u32 v10, $0x7  }
0xa1: {  	v10 =	vsub.s32 v10, v5  }
0xa2: {  	v10 =	vand.u32 $0xFF, v10  }
.LBB2_14:
0xa3: {  	_ =	sdelay $0x3  }
0xa4: {  	[tilespmem:v10+s16+$0x0] =	vst.idx.add.s32.msk $0x1, v6  }
.LBB2_15:
0xa5: {  	s2 =	simm.s32 $0x0  }
0xa6: {  	v10 =	vld [tilespmem:s2+$0x10000];
	_ =	sdelay $0x4  }
0xa7: {  	(xrf0) =	vadd.scan.msk.s32 $0xffff, v10;
	_ =	sdelay $0x5  }
0xa8: {  	s0 =	simm.s32 $0x0;
	v11, _, _ =	vpop (xrf0)  }
0xa9: {  	v11 =	vadd.s32 s0, v11  }
0xaa: {  	v10 =	vsub.s32 v11, v10;
	(v2sf) =	vpush v11, $0xF  }
0xab: {  	[tilespmem:s2+$0x10100] =	vst v10  }
0xac: {  	s1 =	simm.s32 $0x80;
	s0 =	simm.s32 $0x40;
	[tilespmem:s2+$0x10280] =	vst v10  }
.LBB2_16:
0xad: {  	p2 =	seq.s32 s1, $0x3C0;
	s2 =	sshra.s32 s0, $0x2;
	s0 =	smov.u32 s1  }
0xae: {  	v10 =	vld [tilespmem:s2+$0x10000];
	_ =	sdelay $0x4  }
0xaf: {  	(xrf0) =	vadd.scan.msk.s32 $0xffff, v10;
	_ =	sdelay $0x5  }
.Ltmp10:
0xb0: {  	v11, _, _ =	vpop (xrf0);
	s3 =	spop (v2sf);
	(pc) =	sbr.rel @!p2 .LBB2_16-.Ltmp10, $4  }
0xb1: {  	v11 =	vadd.s32 s3, v11  }
0xb2: {  	v10 =	vsub.s32 v11, v10;
	(v2sf) =	vpush v11, $0xF  }
0xb3: {  	[tilespmem:s2+$0x10100] =	vst v10  }
0xb4: {  	s1 =	sadd.s32 $0x40, s1;
	[tilespmem:s2+$0x10280] =	vst v10  }
0xb5: {  	s0 =	sshra.s32 s0, $0x2  }
0xb6: {  	v10 =	vld [tilespmem:s0+$0x10000];
	_ =	sdelay $0x4  }
0xb7: {  	(xrf0) =	vadd.scan.msk.s32 $0xffff, v10;
	_ =	sdelay $0x5  }
0xb8: {  	v11, _, _ =	vpop (xrf0);
	s1 =	spop (v2sf)  }
0xb9: {  	v11 =	vadd.s32 s1, v11  }
0xba: {  	(v2sf) =	vpush v11, $0xF;
	_ =	sdelay $0xa  }
.Ltmp11:
0xbb: {  	_ = 	snop;
	(pc) =	sbr.rel @p1 .LBB2_20-.Ltmp11, $4  }
0xbc: {  	_ = 	snop  }
0xbd: {  	v10 =	vsub.s32 v11, v10  }
0xbe: {  	[tilespmem:s0+$0x10100] =	vst v10  }
0xbf: {  	[tilespmem:s0+$0x10280] =	vst v10;
	s31 =	spop (v2sf)  }
0xc0: {  	s0 =	simm.s32 $0x0  }
.LBB2_19:
0xc1: {  	v10 =	vmov s0;
	_ =	sdelay $0x4  }
0xc2: {  	v11 =	vld.idx.msk [tilespmem:v10+s15+$0x0], $0xffff;
	_ =	sdelay $0x4  }
0xc3: {  	v12 =	vshrl.u32 v11, $0x7  }
0xc4: {  	v12 =	vsub.s32 v12, v5  }
0xc5: {  	v12 =	vand.u32 $0xFF, v12;
	_ =	sdelay $0x4  }
0xc6: {  	v13 =	vld.idx.msk [tilespmem:v12+s18+$0x0], $0xffff;
	_ =	sdelay $0x4  }
0xc7: {  	v13 =	vand.u32 $0xFFF, v13  }
0xc8: {  	s0 =	sadd.s32 $0x1, s0;
	v10 =	vld.idx.msk [tilespmem:v10+s17+$0x0], $0xffff  }
0xc9: {  	p2 =	sne.s32 s30, s0  }
.Ltmp12:
0xca: {  	_ = 	snop;
	(pc) =	sbr.rel @p2 .LBB2_19-.Ltmp12, $4  }
0xcb: {  	_ = 	snop  }
0xcc: {  	[tilespmem:v13+s19+$0x0] =	vst.idx.msk $0x1, v11  }
0xcd: {  	[tilespmem:v13+s20+$0x0] =	vst.idx.msk $0x1, v10  }
0xce: {  	[tilespmem:v12+s18+$0x0] =	vst.idx.add.s32.msk $0x1, v6  }
.LBB2_20:
.Ltmp13:
0xcf: {  	(pc) =	sbr.rel @p0 .LBB2_21-.Ltmp13, $3  }
0xd0: {  	_ =	sdelay $0x1  }
0xd1: {  	s0 =	simm.s32 $0x10380;
	s31 =	simm.s32 $0x0  }
0xd2: {  	[tilespmem:s0], [sflag:$0x1] =	stream.strided.gather [hbm4b:s10+s21], $0x2000, s22, s21, $0x38;
	[tilespmem:$0x18380] =	vst v63  }
.LBB2_23:
.Ltmp14:
0xd3: {  	(pc) =	sbr.rel @p1 .LBB2_27-.Ltmp14, $1  }
0xd4: {  	_ =	sdelay $0x3  }
0xd5: {  	p1 =	sne.s32 s30, $0x1  }
.Ltmp15:
0xd6: {  	_ = 	snop;
	(pc) =	sbr.rel @!p1 .LBB2_26-.Ltmp15, $3  }
0xd7: {  	_ =	sdelay $0x1  }
0xd8: {  	_ =	swait.ge [sflag:s28], $0x80  }
0xd9: {  	s0 =	sadd.s32 $0xFFFFFFFF, s30;
	[sflag:s28] =	ssyncset.done $0x0  }
.LBB2_25:
0xda: {  	p1 =	sne.s32 s0, $0x1;
	s0 =	sadd.s32 $0xFFFFFFFF, s0;
	[sflag:s28] =	ssyncadd.s32 $0xFFFFFF80  }
.Ltmp16:
0xdb: {  	(pc) =	sbr.rel @p1 .LBB2_25-.Ltmp16, $3  }
0xdc: {  	_ =	sdelay $0x1  }
0xdd: {  	_ =	swait.ge [sflag:s28], $0x80  }
0xde: {  	[sflag:s28] =	ssyncset.done $0x0  }
.Ltmp17:
0xdf: {  	_ = 	snop;
	(pc) =	sbr.rel .LBB2_26-.Ltmp17, $1  }
0xe0: {  	_ =	sdelay $0x3  }
.LBB2_30:
0xe1: {  	_ = 	snop  }
.LBB2_33:
0xe2: {  	_ =	sdelay $0x2  }
0xe3: {  	[hbm4b:s3+s6] =	stream.linear.scatter @p2 [tilespmem:s13], [sflag:$0x2], $0x80, $0x38;
	[tilespmem:$0x18380] =	vst v63  }
0xe4: {  	v11 =	vld.idx.msk [tilespmem:v10+s19+$0x0], $0xffff;
	_ =	sdelay $0x4  }
0xe5: {  	v11 =	vand.u32 $0x7F, v11  }
0xe6: {  	v12 =	vor.u32 v3, v11;
	_ =	sdelay $0x3  }
0xe7: {  	v10 =	vld.idx.msk [tilespmem:v10+s20+$0x0], $0xffff  }
0xe8: {  	v12 =	vld.idx.msk [tilespmem:v12+s4+$0x0], $0xffff  }
0xe9: {  	v13 =	vor.u32 v7, v11;
	_ =	sdelay $0x1  }
0xea: {  	s0 =	sshrl.u32 s1, $0x2  }
0xeb: {  	s0 =	sand.u32 $0x3F80, s0  }
0xec: {  	(v2sf) =	vpush v10, $0x0;
	[tilespmem:s0+$0x14380] =	vst v12  }
0xed: {  	v10 =	vld.idx.msk [tilespmem:v13+s4+$0x0], $0xffff  }
0xee: {  	v63 =	vor.u32 v8, v11;
	_ =	sdelay $0x3  }
0xef: {  	[tilespmem:s0+$0x14390] =	vst v10  }
0xf0: {  	v10 =	vld.idx.msk [tilespmem:v63+s4+$0x0], $0xffff  }
0xf1: {  	v11 =	vor.u32 v9, v11;
	_ =	sdelay $0x3  }
0xf2: {  	[tilespmem:s0+$0x143A0] =	vst v10  }
0xf3: {  	v10 =	vld.idx.msk [tilespmem:v11+s4+$0x0], $0xffff;
	_ =	sdelay $0x1  }
0xf4: {  	s14 =	spop (v2sf)  }
0xf5: {  	s1 =	sshll.u32 s14, $0x4  }
0xf6: {  	s1 =	sand.u32 $0x1FFFFFF0, s1  }
0xf7: {  	s2 =	sadd.s32 $0x14380, s0;
	s23 =	sadd.s32 s7, s1;
	[tilespmem:s0+$0x143B0] =	vst v10  }
0xf8: {  	[hbm4b:s23+s6] =	stream.linear.scatter [tilespmem:s2], [sflag:$0x2], $0x80, $0x38;
	[tilespmem:$0x18380] =	vst v63  }
.LBB2_22:
0xf9: {  	p2 =	slt.s32 s31, s9  }
.Ltmp18:
0xfa: {  	_ = 	snop;
	(pc) =	sbr.rel @!p2 .LBB2_23-.Ltmp18, $1  }
0xfb: {  	_ =	sdelay $0x3  }
.LBB2_21:
0xfc: {  	s0 =	smov.u32 s31;
	s31 =	sadd.s32 $0x1, s31  }
0xfd: {  	p2 =	sge.s32 s31, s9  }
0xfe: {  	_ =	swait.ge [sflag:s24], $0x2000;
	s2 =	sadd.s32 @!p2 s8, s0  }
0xff: {  	s1 =	sand.u32 $0x1, s0;
	s3 =	sand.u32 @!p2 $0x1, s31;
	s2 =	sshll.u32 @!p2 s2, $0x7  }
0x100: {  	[sflag:s24] =	ssyncset.done $0x0;
	p3 =	seq.s32 @!p2 s3, $0x1;
	s2 =	sand.u32 @!p2 $0x1FFFFF80, s2  }
0x101: {  	[sflag:s24] =	ssyncadd.s32 $0xFFFFE000;
	p4 =	por p3, p2;
	s2 =	sadd.s32 @!p2 s5, s2  }
0x102: {  	v10 =	vmov s0;
	p5 =	sne.s32 @!p4 s1, $0x0;
	s3 =	simm.s32 @!p4 $0x400;
	s4 =	simm.s32 @!p4 $0x7A1400  }
0x103: {  	v11 =	vmov s31;
	s13 =	simm.s32 @!p4 $0x10380;
	s2 =	sadd.s32 @!p2 $0x80, s2;
	p3 =	por @!p2 p3, !p5  }
0x104: {  	[tilespmem:s13], [sflag:$0x1] =	stream.strided.gather @!p4 [hbm4b:s2+s3], $0x2000, s4, s3, $0x38;
	[tilespmem:$0x18380] =	vst v63  }
0x105: {  	p2 =	por p2, !p3  }
0x106: {  	[tilespmem:s25], [sflag:$0x1] =	stream.strided.gather @!p2 [hbm4b:s2+s21], $0x2000, s22, s21, $0x38;
	[tilespmem:$0x18380] =	vst v63  }
0x107: {  	v10 =	vld.idx.msk [tilespmem:v10+s26+$0x0], $0xffff  }
0x108: {  	v11 =	vld.idx.msk [tilespmem:v11+s26+$0x0], $0xffff;
	_ =	sdelay $0x3  }
0x109: {  	(v2sf) =	vpush v10, $0x0  }
0x10a: {  	(v2sf) =	vpush v11, $0x0;
	_ =	sdelay $0xd  }
0x10b: {  	s2 =	spop (v2sf)  }
0x10c: {  	s0 =	spop (v2sf)  }
0x10d: {  	p2 =	sge.s32 s2, s0  }
.Ltmp19:
0x10e: {  	_ = 	snop;
	(pc) =	sbr.rel @p2 .LBB2_22-.Ltmp19, $1  }
0x10f: {  	_ =	sdelay $0x3  }
0x110: {  	s3 =	sadd.s32 $0x1, s2  }
0x111: {  	p3 =	seq.s32 s0, s3  }
.Ltmp20:
0x112: {  	_ = 	snop;
	(pc) =	sbr.rel @p3 .LBB2_30-.Ltmp20, $3  }
0x113: {  	_ =	sdelay $0x1  }
0x114: {  	p2 =	seq.s32 s1, $0x0;
	s4 =	simm.s32 $0x10380  }
0x115: {  	s1 =	sshll.u32 s2, $0x9;
	v10 =	vmov s2;
	s4 =	simm.s32 @!p2 $0x12380;
	p2 =	por $0x0, $0x0  }
0x116: {  	_ =	sdelay $0x3  }
0x117: {  	v11 =	vld.idx.msk [tilespmem:v10+s19+$0x0], $0xffff;
	_ =	sdelay $0x4  }
0x118: {  	v11 =	vand.u32 $0x7F, v11  }
0x119: {  	v12 =	vor.u32 v3, v11;
	_ =	sdelay $0x3  }
0x11a: {  	v10 =	vld.idx.msk [tilespmem:v10+s20+$0x0], $0xffff  }
0x11b: {  	v12 =	vld.idx.msk [tilespmem:v12+s4+$0x0], $0xffff  }
0x11c: {  	v13 =	vor.u32 v7, v11;
	_ =	sdelay $0x1  }
0x11d: {  	s2 =	sshrl.u32 s1, $0x2  }
0x11e: {  	s14 =	sand.u32 $0x3F80, s2  }
0x11f: {  	(v2sf) =	vpush v10, $0x0;
	[tilespmem:s14+$0x14380] =	vst v12  }
0x120: {  	v10 =	vld.idx.msk [tilespmem:v13+s4+$0x0], $0xffff  }
0x121: {  	v63 =	vor.u32 v8, v11;
	_ =	sdelay $0x3  }
0x122: {  	[tilespmem:s14+$0x14390] =	vst v10  }
0x123: {  	v10 =	vld.idx.msk [tilespmem:v63+s4+$0x0], $0xffff  }
0x124: {  	v11 =	vor.u32 v9, v11;
	_ =	sdelay $0x3  }
0x125: {  	s2 =	sadd.s32 $0x1, s3;
	[tilespmem:s14+$0x143A0] =	vst v10  }
0x126: {  	p3 =	seq.s32 s0, s2;
	v11 =	vld.idx.msk [tilespmem:v11+s4+$0x0], $0xffff  }
.Ltmp21:
0x127: {  	_ = 	snop;
	(pc) =	sbr.rel @p3 .LBB2_33-.Ltmp21, $4  }
0x128: {  	s13 =	spop (v2sf);
	v10 =	vmov s3  }
0x129: {  	s13 =	sshll.u32 s13, $0x4  }
0x12a: {  	s1 =	sadd.s32 $0x200, s1;
	s23 =	sand.u32 $0x1FFFFFF0, s13  }
0x12b: {  	p2 =	por $0x1, $0x1;
	s13 =	sadd.s32 $0x14380, s14;
	s3 =	sadd.s32 s7, s23;
	[tilespmem:s14+$0x143B0] =	vst v11  }
.LBB2_32:
0x12c: {  	[hbm4b:s3+s6] =	stream.linear.scatter [tilespmem:s13], [sflag:$0x2], $0x80, $0x38;
	[tilespmem:$0x18380] =	vst v63  }
0x12d: {  	s3 =	smov.u32 s2;
	s2 =	sadd.s32 $0x1, s2;
	v11 =	vld.idx.msk [tilespmem:v10+s19+$0x0], $0xffff  }
0x12e: {  	p3 =	seq.s32 s0, s2;
	_ =	sdelay $0x4  }
0x12f: {  	v11 =	vand.u32 $0x7F, v11  }
0x130: {  	v12 =	vor.u32 v3, v11;
	_ =	sdelay $0x4  }
0x131: {  	v12 =	vld.idx.msk [tilespmem:v12+s4+$0x0], $0xffff;
	_ =	sdelay $0x1  }
0x132: {  	v13 =	vor.u32 v7, v11  }
0x133: {  	v10 =	vld.idx.msk [tilespmem:v10+s20+$0x0], $0xffff  }
0x134: {  	s13 =	sshrl.u32 s1, $0x2  }
0x135: {  	s14 =	sand.u32 $0x3F80, s13  }
0x136: {  	[tilespmem:s14+$0x14380] =	vst v12  }
0x137: {  	v12 =	vld.idx.msk [tilespmem:v13+s4+$0x0], $0xffff;
	_ =	sdelay $0x1  }
0x138: {  	v13 =	vor.u32 v8, v11;
	(v2sf) =	vpush v10, $0x0;
	_ =	sdelay $0x3  }
0x139: {  	[tilespmem:s14+$0x14390] =	vst v12  }
0x13a: {  	v10 =	vld.idx.msk [tilespmem:v13+s4+$0x0], $0xffff;
	_ =	sdelay $0x1  }
0x13b: {  	v11 =	vor.u32 v9, v11;
	_ =	sdelay $0x3  }
0x13c: {  	[tilespmem:s14+$0x143A0] =	vst v10  }
0x13d: {  	v11 =	vld.idx.msk [tilespmem:v11+s4+$0x0], $0xffff;
	_ =	sdelay $0x1  }
.Ltmp22:
0x13e: {  	(pc) =	sbr.rel @!p3 .LBB2_32-.Ltmp22, $4  }
0x13f: {  	v10 =	vmov s3;
	s3 =	spop (v2sf)  }
0x140: {  	s3 =	sshll.u32 s3, $0x4  }
0x141: {  	s3 =	sand.u32 $0x1FFFFFF0, s3  }
0x142: {  	s1 =	sadd.s32 $0x200, s1;
	s13 =	sadd.s32 $0x14380, s14;
	[tilespmem:s14+$0x143B0] =	vst v11;
	s3 =	sadd.s32 s7, s3  }
.Ltmp23:
0x143: {  	_ = 	snop;
	(pc) =	sbr.rel .LBB2_33-.Ltmp23, $1  }
0x144: {  	_ =	sdelay $0x3  }
.LBB2_4:
.Ltmp24:
0x145: {  	(pc) =	sbr.rel .LBB2_9-.Ltmp24, $2  }
0x146: {  	_ =	sdelay $0x2  }
0x147: {  	s2 =	smov.u32 s0  }
.LBB2_6:
.Ltmp25:
0x148: {  	(pc) =	sbr.rel .LBB2_9-.Ltmp25, $2  }
0x149: {  	_ =	sdelay $0x2  }
0x14a: {  	s2 =	smov.u32 s0;
	s3 =	simm.s32 $0x4010  }
.LBB2_28:
0x14b: {  	_ =	sfence.sel $0x180000  }
0x14c: {  	[bflag:$0x0] =	sbarrier.arrive $0xFFFF  }
0x14d: {  	_ =	strace $0x90000047  }
0x14e: {  	s0 =	stileid.u32;
	[bflag:$0x2] =	sbarrier.arrive $0xFFFF  }
0x14f: {  	p0 =	sne.s32 s0, $0x0;
	s0 =	rddreg [dreg:$0x5]  }
0x150: {  	s0 =	sadd.s32 @!p0 $0x100000, s0  }
0x151: {  	[sflag:s0] =	ssyncadd.tile.s32 @!p0 $0x1;
	_ =	shalt  }
.Lfunc_end2:
_tile_overlayer_lowered:
.L_overlay_start_2:
0x152: {  	(tag) =	ssettag $0x2  }
0x153: {  	s0 =	rddreg [dreg:$0x0];
	s2 =	stileid.u32  }
0x154: {  	s1 =	rddreg [dreg:$0x1];
	p0 =	sne.s32 s2, $0x0  }
0x155: {  	s3 =	rddreg [dreg:$0x2];
	[bflag:$0x3] =	sbarrier.arrive $0xFFFF;
	s2 =	simm.s32 @!p0 $0x1C03  }
0x156: {  	[timem:s3], [sflag:s2] =	dma.local @!p0 [hbm:s0], s1  }
0x157: {  	s0 =	simm.s32 @!p0 $0x3  }
0x158: {  	_ =	swait.ge @!p0 [sflag:s0], s1  }
0x159: {  	s1 =	ssub.s32 @!p0 $0x0, s1;
	[sflag:s0] =	ssyncset.done @!p0 $0x0  }
0x15a: {  	[sflag:s0] =	ssyncadd.s32 @!p0 s1  }
0x15b: {  	[bflag:$0x3] =	sbarrier.arrive $0xFFFF  }
0x15c: {  	_ =	shalt  }

</sc_bundles>
